<compile_context>
chip_gen: v7x
topology: tpu7x:2x2x1
jax: 0.10.2.dev20260603
libtpu: 0.0.44.dev20260713+nightly
codegen_flags: <defaults>
</compile_context>

<pallas_src>
import functools

import jax
import jax.numpy as jnp
from jax import lax
from jax.experimental import pallas as pl
from jax.experimental.pallas import tpu as pltpu
from jax.experimental.pallas import tpu_sc as plsc

B, L = 16384, 200
NC, NS = 2, 16
NW = NC * NS
TL, TB = L // 8, B // 128
NCHUNK = TB // NW
VB = 7
D = 10
VPAD = 112


@functools.partial(
    pl.kernel,
    out_type=jax.ShapeDtypeStruct((TL, 8, B), jnp.float32),
    mesh=plsc.VectorSubcoreMesh(core_axis_name="c", subcore_axis_name="s"),
    compiler_params=pltpu.CompilerParams(
        needs_layout_passes=False, use_tc_tiling_on_sc=False),
    scratch_types=[
        pltpu.VMEM((1024,), jnp.float32),
        pltpu.VMEM((VPAD,), jnp.float32),
        pltpu.VMEM((TL, 8, 128), jnp.int32),
        pltpu.VMEM((TL, 8, 128), jnp.int32),
        pltpu.VMEM((TL, 8, 128), jnp.float32),
        pltpu.VMEM((TL, 8, 128), jnp.float32),
        pltpu.SemaphoreType.DMA,
        pltpu.SemaphoreType.DMA,
        pltpu.SemaphoreType.DMA,
        pltpu.SemaphoreType.DMA,
    ],
)
def _sc_embed(x4_hbm, wts_hbm, out_hbm,
              wts_v, scores_v,
              idx0, idx1, out0, out1, isem0, isem1, osem0, osem1):
    wid = lax.axis_index("s") * NC + lax.axis_index("c")
    tc0 = wid * NCHUNK
    bufs = ((idx0, out0, isem0, osem0), (idx1, out1, isem1, osem1))

    pltpu.async_copy(x4_hbm.at[:, tc0], idx0, isem0)

    pltpu.sync_copy(wts_hbm, wts_v)
    lane = lax.iota(jnp.int32, 16)
    bvec = plsc.load_gather(wts_v, [jnp.full((16,), 1010, jnp.int32)])

    @plsc.parallel_loop(0, VB)
    def _(blk):
        acc = bvec
        vidx = jnp.minimum(lane + blk * 16, 99)
        for d in range(D):
            dvec = jnp.full((16,), 1000 + d, jnp.int32)
            acc = acc + (plsc.load_gather(wts_v, [vidx + d * 100])
                         * plsc.load_gather(wts_v, [dvec]))
        scores_v[pl.ds(pl.multiple_of(blk * 16, 16), 16)] = acc

    pltpu.async_copy(x4_hbm.at[:, tc0 + 1], idx1, isem1)

    def ring_body(g, carry):
        for b in range(2):
            idx_v, out_v, isem, osem = bufs[b]
            c = 2 * g + b
            pltpu.make_async_copy(x4_hbm.at[:, tc0], idx_v, isem).wait()

            @pl.when(g > 0)
            def _():
                pltpu.make_async_copy(
                    out_v, out_hbm.at[:, :, pl.ds(0, 128)], osem).wait()

            @plsc.parallel_loop(0, L, unroll=1)
            def _(r):
                a = r // 8
                s = r % 8
                for co in range(0, 128, 16):
                    iv = idx_v[a, s, pl.ds(co, 16)]
                    out_v[a, s, pl.ds(co, 16)] = plsc.load_gather(scores_v, [iv])

            pltpu.async_copy(
                out_v, out_hbm.at[:, :, pl.ds((tc0 + c) * 128, 128)], osem)

            @pl.when(c + 2 < NCHUNK)
            def _():
                pltpu.async_copy(x4_hbm.at[:, tc0 + c + 2], idx_v, isem)
        return carry

    lax.fori_loop(0, NCHUNK // 2, ring_body, 0)
    for b in range(2):
        pltpu.make_async_copy(
            bufs[b][1], out_hbm.at[:, :, pl.ds(0, 128)], bufs[b][3]).wait()


def kernel(x, embed_table, lin_w, lin_b):
    wts = jnp.concatenate([embed_table.T.reshape(100 * D),
                           lin_w.reshape(D), lin_b,
                           jnp.zeros((13,), jnp.float32)])
    x4 = jnp.swapaxes(x, 0, 1).astype(jnp.int32) \
        .reshape(TL, 8, TB, 128).transpose(0, 2, 1, 3)
    out = _sc_embed(x4, wts)
    return out.reshape(1, L, B).transpose(2, 1, 0)

# --- scband reference (transcript-rebuilt; emitter-appended) ---
"""Pipeline reference for scband-model-embed-in-16174846837268 (READ-ONLY COPY).

The authoritative reference and input builder live on the scoring server;
editing this copy changes nothing except your own understanding.
"""

import jax, jax.numpy as jnp
import numpy as np

def setup_inputs(seed: int = 0) -> dict:
    key = jax.random.key(seed)
    k1, k2, k3, k4 = jax.random.split(key, 4)
    x = jax.random.randint(k1, (16384, 200), 0, 100, dtype=jnp.int64)
    # Embedding(100, 10) table
    embed_table = jax.random.normal(k2, (100, 10), dtype=jnp.float32)
    # Linear(10, 1): weight [1, 10], bias [1]
    lin_w = jax.random.normal(k3, (1, 10), dtype=jnp.float32) * (1.0 / np.sqrt(10))
    lin_b = jax.random.normal(k4, (1,), dtype=jnp.float32) * (1.0 / np.sqrt(10))
    return {"x": x, "embed_table": embed_table, "lin_w": lin_w, "lin_b": lin_b}

def reference(x, embed_table, lin_w, lin_b):
    # embedding lookup (gather)
    emb = jnp.take(embed_table, x, axis=0)  # [B, L, 10]
    # linear layer: emb @ W^T + b
    out = jnp.einsum('bld,od->blo', emb, lin_w) + lin_b  # [B, L, 1]
    return out

if __name__ == "__main__":
    import jax
    _d = setup_inputs()
    print(jax.jit(kernel)(*tuple(_d.values())))

</pallas_src>

<mosaic_0001>
#map = affine_map<(d0, d1) -> (0, 0, 0, 0)>
#map1 = affine_map<(d0, d1) -> (0)>
#map2 = affine_map<(d0, d1) -> (0, 0, 0)>
module attributes {stable_mosaic.version = 14 : i64} {
  func.func @_sc_embed(%arg0: i32, %arg1: i32, %arg2: memref<25x128x8x128xi32, #tpu.memory_space<hbm>>, %arg3: memref<1024xf32, #tpu.memory_space<hbm>>, %arg4: memref<25x8x16384xf32, #tpu.memory_space<hbm>>, %arg5: memref<1024xf32, #tpu.memory_space<vmem>>, %arg6: memref<112xf32, #tpu.memory_space<vmem>>, %arg7: memref<25x8x128xi32, #tpu.memory_space<vmem>>, %arg8: memref<25x8x128xi32, #tpu.memory_space<vmem>>, %arg9: memref<25x8x128xf32, #tpu.memory_space<vmem>>, %arg10: memref<25x8x128xf32, #tpu.memory_space<vmem>>, %arg11: memref<!tpu.dma_semaphore, #tpu.memory_space<semaphore_mem>>, %arg12: memref<!tpu.dma_semaphore, #tpu.memory_space<semaphore_mem>>, %arg13: memref<!tpu.dma_semaphore, #tpu.memory_space<semaphore_mem>>, %arg14: memref<!tpu.dma_semaphore, #tpu.memory_space<semaphore_mem>>) attributes {dimension_semantics = [#tpu.dimension_semantics<core_parallel>, #tpu.dimension_semantics<subcore_parallel>], iteration_bounds = array<i64: 2, 16>, scalar_prefetch = 0 : i64, scratch_operands = 10 : i64, tpu.core_type = #tpu.core_type<sc_vector_subcore>, window_params = [{transform_indices = #map}, {transform_indices = #map1}, {transform_indices = #map2}]} {
    %mul3A = arith.constant 2 : i32
    %mul3A_0 = arith.muli %arg1, %mul3A : i32
    %add3A = arith.addi %mul3A_0, %arg0 : i32
    %mul3A_1 = arith.constant 4 : i32
    %mul3A_2 = arith.muli %add3A, %mul3A_1 : i32
    %dma_start3A = arith.constant 0 : i32
    %dma_start3A_3 = arith.constant 0 : i32
    %dma_start3A_4 = arith.constant 0 : i32
    %dma_start3A_5 = tpu.memref_slice %arg2[%dma_start3A, %mul3A_2, %dma_start3A_3, %dma_start3A_4] : memref<25x128x8x128xi32, #tpu.memory_space<hbm>> -> memref<25x1x8x128xi32, #tpu.memory_space<hbm>>
    %dma_start3A_6 = tpu.memref_squeeze %dma_start3A_5 : memref<25x1x8x128xi32, #tpu.memory_space<hbm>> -> memref<25x8x128xi32, #tpu.memory_space<hbm>>
    %dma_start3A_7 = arith.constant 0 : i32
    %dma_start3A_8 = arith.constant 0 : i32
    %dma_start3A_9 = arith.constant 0 : i32
    %dma_start3A_10 = tpu.memref_slice %arg2[%dma_start3A_7, %mul3A_2, %dma_start3A_8, %dma_start3A_9] : memref<25x128x8x128xi32, #tpu.memory_space<hbm>> -> memref<25x1x8x128xi32, #tpu.memory_space<hbm>>
    %dma_start3A_11 = tpu.memref_squeeze %dma_start3A_10 : memref<25x1x8x128xi32, #tpu.memory_space<hbm>> -> memref<25x8x128xi32, #tpu.memory_space<hbm>>
    tpu.enqueue_dma source(%dma_start3A_11 : memref<25x8x128xi32, #tpu.memory_space<hbm>>) target(%arg7 : memref<25x8x128xi32, #tpu.memory_space<vmem>>) target_semaphore(%arg11 : memref<!tpu.dma_semaphore, #tpu.memory_space<semaphore_mem>>)
    "tpu.region"() ({
      %run_scoped3A = tpu.sem_alloc : memref<!tpu.dma_semaphore, #tpu.memory_space<semaphore_mem>>
      tpu.enqueue_dma source(%arg3 : memref<1024xf32, #tpu.memory_space<hbm>>) target(%arg5 : memref<1024xf32, #tpu.memory_space<vmem>>) target_semaphore(%run_scoped3A : memref<!tpu.dma_semaphore, #tpu.memory_space<semaphore_mem>>)
      tpu.wait_dma2 semaphore(%run_scoped3A : memref<!tpu.dma_semaphore, #tpu.memory_space<semaphore_mem>>) src(%arg3 : memref<1024xf32, #tpu.memory_space<hbm>>) dst(%arg5 : memref<1024xf32, #tpu.memory_space<vmem>>)
      tpu.yield
    }) : () -> ()
    %iota3A = tpu.iota {dimensions = array<i32: 0>} : vector<16xi32>
    %broadcast_in_dim3A = arith.constant 1010 : i32
    %broadcast_in_dim3A_12 = vector.broadcast %broadcast_in_dim3A : i32 to vector<16xi32>
    %gather3A = tpu.vector_load_idx %arg5[%broadcast_in_dim3A_12] : memref<1024xf32, #tpu.memory_space<vmem>>[vector<16xi32>], vector<16xf32>,
    %parallel_loop3A = arith.constant 0 : i32
    %parallel_loop3A_13 = arith.constant 7 : i32
    %parallel_loop3A_14 = arith.constant 1 : i32
    scf.for %parallel_loop3A_47 = %parallel_loop3A to %parallel_loop3A_13 step %parallel_loop3A_14  : i32 {
      %parallel_loop3A_48 = arith.constant 16 : i32
      %parallel_loop3A_49 = arith.muli %parallel_loop3A_47, %parallel_loop3A_48 : i32
      %parallel_loop3A_50 = vector.broadcast %parallel_loop3A_49 : i32 to vector<16xi32>
      %parallel_loop3A_51 = arith.addi %iota3A, %parallel_loop3A_50 : vector<16xi32>
      %parallel_loop3A_52 = arith.constant 99 : i32
      %parallel_loop3A_53 = vector.broadcast %parallel_loop3A_52 : i32 to vector<16xi32>
      %parallel_loop3A_54 = arith.minsi %parallel_loop3A_51, %parallel_loop3A_53 : vector<16xi32>
      %parallel_loop3A_55 = arith.constant 1000 : i32
      %parallel_loop3A_56 = vector.broadcast %parallel_loop3A_55 : i32 to vector<16xi32>
      %parallel_loop3A_57 = arith.constant 0 : i32
      %parallel_loop3A_58 = vector.broadcast %parallel_loop3A_57 : i32 to vector<16xi32>
      %parallel_loop3A_59 = arith.addi %parallel_loop3A_54, %parallel_loop3A_58 : vector<16xi32>
      %parallel_loop3A_60 = tpu.vector_load_idx %arg5[%parallel_loop3A_59] : memref<1024xf32, #tpu.memory_space<vmem>>[vector<16xi32>], vector<16xf32>,
      %parallel_loop3A_61 = tpu.vector_load_idx %arg5[%parallel_loop3A_56] : memref<1024xf32, #tpu.memory_space<vmem>>[vector<16xi32>], vector<16xf32>,
      %parallel_loop3A_62 = arith.mulf %parallel_loop3A_60, %parallel_loop3A_61 : vector<16xf32>
      %parallel_loop3A_63 = arith.addf %gather3A, %parallel_loop3A_62 : vector<16xf32>
      %parallel_loop3A_64 = arith.constant 1001 : i32
      %parallel_loop3A_65 = vector.broadcast %parallel_loop3A_64 : i32 to vector<16xi32>
      %parallel_loop3A_66 = arith.constant 100 : i32
      %parallel_loop3A_67 = vector.broadcast %parallel_loop3A_66 : i32 to vector<16xi32>
      %parallel_loop3A_68 = arith.addi %parallel_loop3A_54, %parallel_loop3A_67 : vector<16xi32>
      %parallel_loop3A_69 = tpu.vector_load_idx %arg5[%parallel_loop3A_68] : memref<1024xf32, #tpu.memory_space<vmem>>[vector<16xi32>], vector<16xf32>,
      %parallel_loop3A_70 = tpu.vector_load_idx %arg5[%parallel_loop3A_65] : memref<1024xf32, #tpu.memory_space<vmem>>[vector<16xi32>], vector<16xf32>,
      %parallel_loop3A_71 = arith.mulf %parallel_loop3A_69, %parallel_loop3A_70 : vector<16xf32>
      %parallel_loop3A_72 = arith.addf %parallel_loop3A_63, %parallel_loop3A_71 : vector<16xf32>
      %parallel_loop3A_73 = arith.constant 1002 : i32
      %parallel_loop3A_74 = vector.broadcast %parallel_loop3A_73 : i32 to vector<16xi32>
      %parallel_loop3A_75 = arith.constant 200 : i32
      %parallel_loop3A_76 = vector.broadcast %parallel_loop3A_75 : i32 to vector<16xi32>
      %parallel_loop3A_77 = arith.addi %parallel_loop3A_54, %parallel_loop3A_76 : vector<16xi32>
      %parallel_loop3A_78 = tpu.vector_load_idx %arg5[%parallel_loop3A_77] : memref<1024xf32, #tpu.memory_space<vmem>>[vector<16xi32>], vector<16xf32>,
      %parallel_loop3A_79 = tpu.vector_load_idx %arg5[%parallel_loop3A_74] : memref<1024xf32, #tpu.memory_space<vmem>>[vector<16xi32>], vector<16xf32>,
      %parallel_loop3A_80 = arith.mulf %parallel_loop3A_78, %parallel_loop3A_79 : vector<16xf32>
      %parallel_loop3A_81 = arith.addf %parallel_loop3A_72, %parallel_loop3A_80 : vector<16xf32>
      %parallel_loop3A_82 = arith.constant 1003 : i32
      %parallel_loop3A_83 = vector.broadcast %parallel_loop3A_82 : i32 to vector<16xi32>
      %parallel_loop3A_84 = arith.constant 300 : i32
      %parallel_loop3A_85 = vector.broadcast %parallel_loop3A_84 : i32 to vector<16xi32>
      %parallel_loop3A_86 = arith.addi %parallel_loop3A_54, %parallel_loop3A_85 : vector<16xi32>
      %parallel_loop3A_87 = tpu.vector_load_idx %arg5[%parallel_loop3A_86] : memref<1024xf32, #tpu.memory_space<vmem>>[vector<16xi32>], vector<16xf32>,
      %parallel_loop3A_88 = tpu.vector_load_idx %arg5[%parallel_loop3A_83] : memref<1024xf32, #tpu.memory_space<vmem>>[vector<16xi32>], vector<16xf32>,
      %parallel_loop3A_89 = arith.mulf %parallel_loop3A_87, %parallel_loop3A_88 : vector<16xf32>
      %parallel_loop3A_90 = arith.addf %parallel_loop3A_81, %parallel_loop3A_89 : vector<16xf32>
      %parallel_loop3A_91 = arith.constant 1004 : i32
      %parallel_loop3A_92 = vector.broadcast %parallel_loop3A_91 : i32 to vector<16xi32>
      %parallel_loop3A_93 = arith.constant 400 : i32
      %parallel_loop3A_94 = vector.broadcast %parallel_loop3A_93 : i32 to vector<16xi32>
      %parallel_loop3A_95 = arith.addi %parallel_loop3A_54, %parallel_loop3A_94 : vector<16xi32>
      %parallel_loop3A_96 = tpu.vector_load_idx %arg5[%parallel_loop3A_95] : memref<1024xf32, #tpu.memory_space<vmem>>[vector<16xi32>], vector<16xf32>,
      %parallel_loop3A_97 = tpu.vector_load_idx %arg5[%parallel_loop3A_92] : memref<1024xf32, #tpu.memory_space<vmem>>[vector<16xi32>], vector<16xf32>,
      %parallel_loop3A_98 = arith.mulf %parallel_loop3A_96, %parallel_loop3A_97 : vector<16xf32>
      %parallel_loop3A_99 = arith.addf %parallel_loop3A_90, %parallel_loop3A_98 : vector<16xf32>
      %parallel_loop3A_100 = arith.constant 1005 : i32
      %parallel_loop3A_101 = vector.broadcast %parallel_loop3A_100 : i32 to vector<16xi32>
      %parallel_loop3A_102 = arith.constant 500 : i32
      %parallel_loop3A_103 = vector.broadcast %parallel_loop3A_102 : i32 to vector<16xi32>
      %parallel_loop3A_104 = arith.addi %parallel_loop3A_54, %parallel_loop3A_103 : vector<16xi32>
      %parallel_loop3A_105 = tpu.vector_load_idx %arg5[%parallel_loop3A_104] : memref<1024xf32, #tpu.memory_space<vmem>>[vector<16xi32>], vector<16xf32>,
      %parallel_loop3A_106 = tpu.vector_load_idx %arg5[%parallel_loop3A_101] : memref<1024xf32, #tpu.memory_space<vmem>>[vector<16xi32>], vector<16xf32>,
      %parallel_loop3A_107 = arith.mulf %parallel_loop3A_105, %parallel_loop3A_106 : vector<16xf32>
      %parallel_loop3A_108 = arith.addf %parallel_loop3A_99, %parallel_loop3A_107 : vector<16xf32>
      %parallel_loop3A_109 = arith.constant 1006 : i32
      %parallel_loop3A_110 = vector.broadcast %parallel_loop3A_109 : i32 to vector<16xi32>
      %parallel_loop3A_111 = arith.constant 600 : i32
      %parallel_loop3A_112 = vector.broadcast %parallel_loop3A_111 : i32 to vector<16xi32>
      %parallel_loop3A_113 = arith.addi %parallel_loop3A_54, %parallel_loop3A_112 : vector<16xi32>
      %parallel_loop3A_114 = tpu.vector_load_idx %arg5[%parallel_loop3A_113] : memref<1024xf32, #tpu.memory_space<vmem>>[vector<16xi32>], vector<16xf32>,
      %parallel_loop3A_115 = tpu.vector_load_idx %arg5[%parallel_loop3A_110] : memref<1024xf32, #tpu.memory_space<vmem>>[vector<16xi32>], vector<16xf32>,
      %parallel_loop3A_116 = arith.mulf %parallel_loop3A_114, %parallel_loop3A_115 : vector<16xf32>
      %parallel_loop3A_117 = arith.addf %parallel_loop3A_108, %parallel_loop3A_116 : vector<16xf32>
      %parallel_loop3A_118 = arith.constant 1007 : i32
      %parallel_loop3A_119 = vector.broadcast %parallel_loop3A_118 : i32 to vector<16xi32>
      %parallel_loop3A_120 = arith.constant 700 : i32
      %parallel_loop3A_121 = vector.broadcast %parallel_loop3A_120 : i32 to vector<16xi32>
      %parallel_loop3A_122 = arith.addi %parallel_loop3A_54, %parallel_loop3A_121 : vector<16xi32>
      %parallel_loop3A_123 = tpu.vector_load_idx %arg5[%parallel_loop3A_122] : memref<1024xf32, #tpu.memory_space<vmem>>[vector<16xi32>], vector<16xf32>,
      %parallel_loop3A_124 = tpu.vector_load_idx %arg5[%parallel_loop3A_119] : memref<1024xf32, #tpu.memory_space<vmem>>[vector<16xi32>], vector<16xf32>,
      %parallel_loop3A_125 = arith.mulf %parallel_loop3A_123, %parallel_loop3A_124 : vector<16xf32>
      %parallel_loop3A_126 = arith.addf %parallel_loop3A_117, %parallel_loop3A_125 : vector<16xf32>
      %parallel_loop3A_127 = arith.constant 1008 : i32
      %parallel_loop3A_128 = vector.broadcast %parallel_loop3A_127 : i32 to vector<16xi32>
      %parallel_loop3A_129 = arith.constant 800 : i32
      %parallel_loop3A_130 = vector.broadcast %parallel_loop3A_129 : i32 to vector<16xi32>
      %parallel_loop3A_131 = arith.addi %parallel_loop3A_54, %parallel_loop3A_130 : vector<16xi32>
      %parallel_loop3A_132 = tpu.vector_load_idx %arg5[%parallel_loop3A_131] : memref<1024xf32, #tpu.memory_space<vmem>>[vector<16xi32>], vector<16xf32>,
      %parallel_loop3A_133 = tpu.vector_load_idx %arg5[%parallel_loop3A_128] : memref<1024xf32, #tpu.memory_space<vmem>>[vector<16xi32>], vector<16xf32>,
      %parallel_loop3A_134 = arith.mulf %parallel_loop3A_132, %parallel_loop3A_133 : vector<16xf32>
      %parallel_loop3A_135 = arith.addf %parallel_loop3A_126, %parallel_loop3A_134 : vector<16xf32>
      %parallel_loop3A_136 = arith.constant 1009 : i32
      %parallel_loop3A_137 = vector.broadcast %parallel_loop3A_136 : i32 to vector<16xi32>
      %parallel_loop3A_138 = arith.constant 900 : i32
      %parallel_loop3A_139 = vector.broadcast %parallel_loop3A_138 : i32 to vector<16xi32>
      %parallel_loop3A_140 = arith.addi %parallel_loop3A_54, %parallel_loop3A_139 : vector<16xi32>
      %parallel_loop3A_141 = tpu.vector_load_idx %arg5[%parallel_loop3A_140] : memref<1024xf32, #tpu.memory_space<vmem>>[vector<16xi32>], vector<16xf32>,
      %parallel_loop3A_142 = tpu.vector_load_idx %arg5[%parallel_loop3A_137] : memref<1024xf32, #tpu.memory_space<vmem>>[vector<16xi32>], vector<16xf32>,
      %parallel_loop3A_143 = arith.mulf %parallel_loop3A_141, %parallel_loop3A_142 : vector<16xf32>
      %parallel_loop3A_144 = arith.addf %parallel_loop3A_135, %parallel_loop3A_143 : vector<16xf32>
      %parallel_loop3A_145 = arith.constant 16 : i32
      %parallel_loop3A_146 = arith.muli %parallel_loop3A_47, %parallel_loop3A_145 : i32
      %parallel_loop3A_147 = tpu.assume_multiple %parallel_loop3A_146, 16 : i32
      %parallel_loop3A_148 = arith.index_cast %parallel_loop3A_147 : i32 to index
      %parallel_loop3A_149 = tpu.vector_load %arg6[%parallel_loop3A_148] {strides = array<i32>} : memref<112xf32, #tpu.memory_space<vmem>>, vector<16xf32>,
      tpu.vector_store %arg6[%parallel_loop3A_148], %parallel_loop3A_144 {strides = array<i32>} : memref<112xf32, #tpu.memory_space<vmem>>, vector<16xf32>,
    } {sc.loop_unroll_factor = 1 : i64, sc.parallel_access}
    %add3A_15 = arith.constant 1 : i32
    %add3A_16 = arith.addi %mul3A_2, %add3A_15 : i32
    %dma_start3A_17 = arith.constant 0 : i32
    %dma_start3A_18 = arith.constant 0 : i32
    %dma_start3A_19 = arith.constant 0 : i32
    %dma_start3A_20 = tpu.memref_slice %arg2[%dma_start3A_17, %add3A_16, %dma_start3A_18, %dma_start3A_19] : memref<25x128x8x128xi32, #tpu.memory_space<hbm>> -> memref<25x1x8x128xi32, #tpu.memory_space<hbm>>
    %dma_start3A_21 = tpu.memref_squeeze %dma_start3A_20 : memref<25x1x8x128xi32, #tpu.memory_space<hbm>> -> memref<25x8x128xi32, #tpu.memory_space<hbm>>
    %dma_start3A_22 = arith.constant 0 : i32
    %dma_start3A_23 = arith.constant 0 : i32
    %dma_start3A_24 = arith.constant 0 : i32
    %dma_start3A_25 = tpu.memref_slice %arg2[%dma_start3A_22, %add3A_16, %dma_start3A_23, %dma_start3A_24] : memref<25x128x8x128xi32, #tpu.memory_space<hbm>> -> memref<25x1x8x128xi32, #tpu.memory_space<hbm>>
    %dma_start3A_26 = tpu.memref_squeeze %dma_start3A_25 : memref<25x1x8x128xi32, #tpu.memory_space<hbm>> -> memref<25x8x128xi32, #tpu.memory_space<hbm>>
    tpu.enqueue_dma source(%dma_start3A_26 : memref<25x8x128xi32, #tpu.memory_space<hbm>>) target(%arg8 : memref<25x8x128xi32, #tpu.memory_space<vmem>>) target_semaphore(%arg12 : memref<!tpu.dma_semaphore, #tpu.memory_space<semaphore_mem>>)
    %scan3A = arith.constant 0 : i32
    %scan3A_27 = arith.constant 0 : i32
    %scan3A_28 = arith.constant 2 : i32
    %scan3A_29 = arith.addi %scan3A_27, %scan3A_28 : i32
    %scan3A_30 = arith.constant 1 : i32
    scf.for %scan3A_47 = %scan3A_27 to %scan3A_29 step %scan3A_30  : i32 {
      %mul3A_48 = arith.constant 2 : i32
      %mul3A_49 = arith.muli %mul3A_48, %scan3A_47 : i32
      %add3A_50 = arith.constant 0 : i32
      %add3A_51 = arith.addi %mul3A_49, %add3A_50 : i32
      %dma_wait3A_52 = arith.constant 0 : i32
      %dma_wait3A_53 = arith.constant 0 : i32
      %dma_wait3A_54 = arith.constant 0 : i32
      %dma_wait3A_55 = tpu.memref_slice %arg2[%dma_wait3A_52, %mul3A_2, %dma_wait3A_53, %dma_wait3A_54] : memref<25x128x8x128xi32, #tpu.memory_space<hbm>> -> memref<25x1x8x128xi32, #tpu.memory_space<hbm>>
      %dma_wait3A_56 = tpu.memref_squeeze %dma_wait3A_55 : memref<25x1x8x128xi32, #tpu.memory_space<hbm>> -> memref<25x8x128xi32, #tpu.memory_space<hbm>>
      %dma_wait3A_57 = arith.constant 0 : i32
      %dma_wait3A_58 = arith.constant 0 : i32
      %dma_wait3A_59 = arith.constant 0 : i32
      %dma_wait3A_60 = tpu.memref_slice %arg2[%dma_wait3A_57, %mul3A_2, %dma_wait3A_58, %dma_wait3A_59] : memref<25x128x8x128xi32, #tpu.memory_space<hbm>> -> memref<25x1x8x128xi32, #tpu.memory_space<hbm>>
      %dma_wait3A_61 = tpu.memref_squeeze %dma_wait3A_60 : memref<25x1x8x128xi32, #tpu.memory_space<hbm>> -> memref<25x8x128xi32, #tpu.memory_space<hbm>>
      tpu.wait_dma2 semaphore(%arg11 : memref<!tpu.dma_semaphore, #tpu.memory_space<semaphore_mem>>) src(%dma_wait3A_61 : memref<25x8x128xi32, #tpu.memory_space<hbm>>) dst(%arg7 : memref<25x8x128xi32, #tpu.memory_space<vmem>>)
      %gt3A = arith.constant 0 : i32
      %gt3A_62 = arith.cmpi sgt, %scan3A_47, %gt3A : i32
      %convert_element_type3A = arith.extui %gt3A_62 : i1 to i32
      %cond3A = arith.constant 0 : i32
      %cond3A_63 = arith.cmpi ne, %convert_element_type3A, %cond3A : i32
      scf.if %cond3A_63 {
        %dma_wait3A_120 = arith.constant 0 : i32
        %dma_wait3A_121 = arith.constant 0 : i32
        %dma_wait3A_122 = arith.constant 0 : i32
        %dma_wait3A_123 = tpu.memref_slice %arg4[%dma_wait3A_120, %dma_wait3A_121, %dma_wait3A_122] : memref<25x8x16384xf32, #tpu.memory_space<hbm>> -> memref<25x8x128xf32, #tpu.memory_space<hbm>>
        %dma_wait3A_124 = arith.constant 0 : i32
        %dma_wait3A_125 = arith.constant 0 : i32
        %dma_wait3A_126 = arith.constant 0 : i32
        %dma_wait3A_127 = tpu.memref_slice %arg4[%dma_wait3A_124, %dma_wait3A_125, %dma_wait3A_126] : memref<25x8x16384xf32, #tpu.memory_space<hbm>> -> memref<25x8x128xf32, #tpu.memory_space<hbm>>
        tpu.wait_dma2 semaphore(%arg13 : memref<!tpu.dma_semaphore, #tpu.memory_space<semaphore_mem>>) src(%arg9 : memref<25x8x128xf32, #tpu.memory_space<vmem>>) dst(%dma_wait3A_127 : memref<25x8x128xf32, #tpu.memory_space<hbm>>)
      } else {
      }
      %parallel_loop3A_64 = arith.constant 0 : i32
      %parallel_loop3A_65 = arith.constant 200 : i32
      %parallel_loop3A_66 = arith.constant 1 : i32
      scf.for %parallel_loop3A_120 = %parallel_loop3A_64 to %parallel_loop3A_65 step %parallel_loop3A_66  : i32 {
        %parallel_loop3A_121 = arith.constant 8 : i32
        %parallel_loop3A_122 = arith.divsi %parallel_loop3A_120, %parallel_loop3A_121 : i32
        %parallel_loop3A_123 = arith.constant 0 : i32
        %parallel_loop3A_124 = arith.cmpi sgt, %parallel_loop3A_120, %parallel_loop3A_123 : i32
        %parallel_loop3A_125 = arith.extui %parallel_loop3A_124 : i1 to i32
        %parallel_loop3A_126 = arith.constant 0 : i32
        %parallel_loop3A_127 = arith.cmpi slt, %parallel_loop3A_120, %parallel_loop3A_126 : i32
        %parallel_loop3A_128 = arith.extui %parallel_loop3A_127 : i1 to i32
        %parallel_loop3A_129 = arith.subi %parallel_loop3A_125, %parallel_loop3A_128 : i32
        %parallel_loop3A_130 = arith.constant 0 : i32
        %parallel_loop3A_131 = arith.cmpi sgt, %parallel_loop3A_121, %parallel_loop3A_130 : i32
        %parallel_loop3A_132 = arith.extui %parallel_loop3A_131 : i1 to i32
        %parallel_loop3A_133 = arith.constant 0 : i32
        %parallel_loop3A_134 = arith.cmpi slt, %parallel_loop3A_121, %parallel_loop3A_133 : i32
        %parallel_loop3A_135 = arith.extui %parallel_loop3A_134 : i1 to i32
        %parallel_loop3A_136 = arith.subi %parallel_loop3A_132, %parallel_loop3A_135 : i32
        %parallel_loop3A_137 = arith.cmpi ne, %parallel_loop3A_129, %parallel_loop3A_136 : i32
        %parallel_loop3A_138 = arith.remsi %parallel_loop3A_120, %parallel_loop3A_121 : i32
        %parallel_loop3A_139 = arith.constant 0 : i32
        %parallel_loop3A_140 = arith.cmpi ne, %parallel_loop3A_138, %parallel_loop3A_139 : i32
        %parallel_loop3A_141 = arith.andi %parallel_loop3A_137, %parallel_loop3A_140 : i1
        %parallel_loop3A_142 = arith.constant 1 : i32
        %parallel_loop3A_143 = arith.subi %parallel_loop3A_122, %parallel_loop3A_142 : i32
        %parallel_loop3A_144 = arith.select %parallel_loop3A_141, %parallel_loop3A_143, %parallel_loop3A_122 : i32
        %parallel_loop3A_145 = arith.constant 8 : i32
        %parallel_loop3A_146 = arith.constant 0 : i32
        %parallel_loop3A_147 = arith.cmpi eq, %parallel_loop3A_145, %parallel_loop3A_146 : i32
        %parallel_loop3A_148 = arith.constant 1 : i32
        %parallel_loop3A_149 = arith.select %parallel_loop3A_147, %parallel_loop3A_148, %parallel_loop3A_145 : i32
        %parallel_loop3A_150 = arith.remsi %parallel_loop3A_120, %parallel_loop3A_149 : i32
        %parallel_loop3A_151 = arith.constant 0 : i32
        %parallel_loop3A_152 = arith.cmpi ne, %parallel_loop3A_150, %parallel_loop3A_151 : i32
        %parallel_loop3A_153 = arith.constant 0 : i32
        %parallel_loop3A_154 = arith.cmpi slt, %parallel_loop3A_150, %parallel_loop3A_153 : i32
        %parallel_loop3A_155 = arith.constant 0 : i32
        %parallel_loop3A_156 = arith.cmpi slt, %parallel_loop3A_149, %parallel_loop3A_155 : i32
        %parallel_loop3A_157 = arith.xori %parallel_loop3A_154, %parallel_loop3A_156 : i1
        %parallel_loop3A_158 = arith.andi %parallel_loop3A_157, %parallel_loop3A_152 : i1
        %parallel_loop3A_159 = arith.addi %parallel_loop3A_150, %parallel_loop3A_149 : i32
        %parallel_loop3A_160 = arith.select %parallel_loop3A_158, %parallel_loop3A_159, %parallel_loop3A_150 : i32
        %parallel_loop3A_161 = arith.index_cast %parallel_loop3A_144 : i32 to index
        %parallel_loop3A_162 = arith.index_cast %parallel_loop3A_160 : i32 to index
        %parallel_loop3A_163 = arith.constant 0 : index
        %parallel_loop3A_164 = tpu.vector_load %arg7[%parallel_loop3A_161, %parallel_loop3A_162, %parallel_loop3A_163] {strides = array<i32>} : memref<25x8x128xi32, #tpu.memory_space<vmem>>, vector<16xi32>,
        %parallel_loop3A_165 = tpu.vector_load_idx %arg6[%parallel_loop3A_164] : memref<112xf32, #tpu.memory_space<vmem>>[vector<16xi32>], vector<16xf32>,
        %parallel_loop3A_166 = arith.index_cast %parallel_loop3A_144 : i32 to index
        %parallel_loop3A_167 = arith.index_cast %parallel_loop3A_160 : i32 to index
        %parallel_loop3A_168 = arith.constant 0 : index
        %parallel_loop3A_169 = tpu.vector_load %arg9[%parallel_loop3A_166, %parallel_loop3A_167, %parallel_loop3A_168] {strides = array<i32>} : memref<25x8x128xf32, #tpu.memory_space<vmem>>, vector<16xf32>,
        tpu.vector_store %arg9[%parallel_loop3A_166, %parallel_loop3A_167, %parallel_loop3A_168], %parallel_loop3A_165 {strides = array<i32>} : memref<25x8x128xf32, #tpu.memory_space<vmem>>, vector<16xf32>,
        %parallel_loop3A_170 = arith.index_cast %parallel_loop3A_144 : i32 to index
        %parallel_loop3A_171 = arith.index_cast %parallel_loop3A_160 : i32 to index
        %parallel_loop3A_172 = arith.constant 16 : index
        %parallel_loop3A_173 = tpu.vector_load %arg7[%parallel_loop3A_170, %parallel_loop3A_171, %parallel_loop3A_172] {strides = array<i32>} : memref<25x8x128xi32, #tpu.memory_space<vmem>>, vector<16xi32>,
        %parallel_loop3A_174 = tpu.vector_load_idx %arg6[%parallel_loop3A_173] : memref<112xf32, #tpu.memory_space<vmem>>[vector<16xi32>], vector<16xf32>,
        %parallel_loop3A_175 = arith.index_cast %parallel_loop3A_144 : i32 to index
        %parallel_loop3A_176 = arith.index_cast %parallel_loop3A_160 : i32 to index
        %parallel_loop3A_177 = arith.constant 16 : index
        %parallel_loop3A_178 = tpu.vector_load %arg9[%parallel_loop3A_175, %parallel_loop3A_176, %parallel_loop3A_177] {strides = array<i32>} : memref<25x8x128xf32, #tpu.memory_space<vmem>>, vector<16xf32>,
        tpu.vector_store %arg9[%parallel_loop3A_175, %parallel_loop3A_176, %parallel_loop3A_177], %parallel_loop3A_174 {strides = array<i32>} : memref<25x8x128xf32, #tpu.memory_space<vmem>>, vector<16xf32>,
        %parallel_loop3A_179 = arith.index_cast %parallel_loop3A_144 : i32 to index
        %parallel_loop3A_180 = arith.index_cast %parallel_loop3A_160 : i32 to index
        %parallel_loop3A_181 = arith.constant 32 : index
        %parallel_loop3A_182 = tpu.vector_load %arg7[%parallel_loop3A_179, %parallel_loop3A_180, %parallel_loop3A_181] {strides = array<i32>} : memref<25x8x128xi32, #tpu.memory_space<vmem>>, vector<16xi32>,
        %parallel_loop3A_183 = tpu.vector_load_idx %arg6[%parallel_loop3A_182] : memref<112xf32, #tpu.memory_space<vmem>>[vector<16xi32>], vector<16xf32>,
        %parallel_loop3A_184 = arith.index_cast %parallel_loop3A_144 : i32 to index
        %parallel_loop3A_185 = arith.index_cast %parallel_loop3A_160 : i32 to index
        %parallel_loop3A_186 = arith.constant 32 : index
        %parallel_loop3A_187 = tpu.vector_load %arg9[%parallel_loop3A_184, %parallel_loop3A_185, %parallel_loop3A_186] {strides = array<i32>} : memref<25x8x128xf32, #tpu.memory_space<vmem>>, vector<16xf32>,
        tpu.vector_store %arg9[%parallel_loop3A_184, %parallel_loop3A_185, %parallel_loop3A_186], %parallel_loop3A_183 {strides = array<i32>} : memref<25x8x128xf32, #tpu.memory_space<vmem>>, vector<16xf32>,
        %parallel_loop3A_188 = arith.index_cast %parallel_loop3A_144 : i32 to index
        %parallel_loop3A_189 = arith.index_cast %parallel_loop3A_160 : i32 to index
        %parallel_loop3A_190 = arith.constant 48 : index
        %parallel_loop3A_191 = tpu.vector_load %arg7[%parallel_loop3A_188, %parallel_loop3A_189, %parallel_loop3A_190] {strides = array<i32>} : memref<25x8x128xi32, #tpu.memory_space<vmem>>, vector<16xi32>,
        %parallel_loop3A_192 = tpu.vector_load_idx %arg6[%parallel_loop3A_191] : memref<112xf32, #tpu.memory_space<vmem>>[vector<16xi32>], vector<16xf32>,
        %parallel_loop3A_193 = arith.index_cast %parallel_loop3A_144 : i32 to index
        %parallel_loop3A_194 = arith.index_cast %parallel_loop3A_160 : i32 to index
        %parallel_loop3A_195 = arith.constant 48 : index
        %parallel_loop3A_196 = tpu.vector_load %arg9[%parallel_loop3A_193, %parallel_loop3A_194, %parallel_loop3A_195] {strides = array<i32>} : memref<25x8x128xf32, #tpu.memory_space<vmem>>, vector<16xf32>,
        tpu.vector_store %arg9[%parallel_loop3A_193, %parallel_loop3A_194, %parallel_loop3A_195], %parallel_loop3A_192 {strides = array<i32>} : memref<25x8x128xf32, #tpu.memory_space<vmem>>, vector<16xf32>,
        %parallel_loop3A_197 = arith.index_cast %parallel_loop3A_144 : i32 to index
        %parallel_loop3A_198 = arith.index_cast %parallel_loop3A_160 : i32 to index
        %parallel_loop3A_199 = arith.constant 64 : index
        %parallel_loop3A_200 = tpu.vector_load %arg7[%parallel_loop3A_197, %parallel_loop3A_198, %parallel_loop3A_199] {strides = array<i32>} : memref<25x8x128xi32, #tpu.memory_space<vmem>>, vector<16xi32>,
        %parallel_loop3A_201 = tpu.vector_load_idx %arg6[%parallel_loop3A_200] : memref<112xf32, #tpu.memory_space<vmem>>[vector<16xi32>], vector<16xf32>,
        %parallel_loop3A_202 = arith.index_cast %parallel_loop3A_144 : i32 to index
        %parallel_loop3A_203 = arith.index_cast %parallel_loop3A_160 : i32 to index
        %parallel_loop3A_204 = arith.constant 64 : index
        %parallel_loop3A_205 = tpu.vector_load %arg9[%parallel_loop3A_202, %parallel_loop3A_203, %parallel_loop3A_204] {strides = array<i32>} : memref<25x8x128xf32, #tpu.memory_space<vmem>>, vector<16xf32>,
        tpu.vector_store %arg9[%parallel_loop3A_202, %parallel_loop3A_203, %parallel_loop3A_204], %parallel_loop3A_201 {strides = array<i32>} : memref<25x8x128xf32, #tpu.memory_space<vmem>>, vector<16xf32>,
        %parallel_loop3A_206 = arith.index_cast %parallel_loop3A_144 : i32 to index
        %parallel_loop3A_207 = arith.index_cast %parallel_loop3A_160 : i32 to index
        %parallel_loop3A_208 = arith.constant 80 : index
        %parallel_loop3A_209 = tpu.vector_load %arg7[%parallel_loop3A_206, %parallel_loop3A_207, %parallel_loop3A_208] {strides = array<i32>} : memref<25x8x128xi32, #tpu.memory_space<vmem>>, vector<16xi32>,
        %parallel_loop3A_210 = tpu.vector_load_idx %arg6[%parallel_loop3A_209] : memref<112xf32, #tpu.memory_space<vmem>>[vector<16xi32>], vector<16xf32>,
        %parallel_loop3A_211 = arith.index_cast %parallel_loop3A_144 : i32 to index
        %parallel_loop3A_212 = arith.index_cast %parallel_loop3A_160 : i32 to index
        %parallel_loop3A_213 = arith.constant 80 : index
        %parallel_loop3A_214 = tpu.vector_load %arg9[%parallel_loop3A_211, %parallel_loop3A_212, %parallel_loop3A_213] {strides = array<i32>} : memref<25x8x128xf32, #tpu.memory_space<vmem>>, vector<16xf32>,
        tpu.vector_store %arg9[%parallel_loop3A_211, %parallel_loop3A_212, %parallel_loop3A_213], %parallel_loop3A_210 {strides = array<i32>} : memref<25x8x128xf32, #tpu.memory_space<vmem>>, vector<16xf32>,
        %parallel_loop3A_215 = arith.index_cast %parallel_loop3A_144 : i32 to index
        %parallel_loop3A_216 = arith.index_cast %parallel_loop3A_160 : i32 to index
        %parallel_loop3A_217 = arith.constant 96 : index
        %parallel_loop3A_218 = tpu.vector_load %arg7[%parallel_loop3A_215, %parallel_loop3A_216, %parallel_loop3A_217] {strides = array<i32>} : memref<25x8x128xi32, #tpu.memory_space<vmem>>, vector<16xi32>,
        %parallel_loop3A_219 = tpu.vector_load_idx %arg6[%parallel_loop3A_218] : memref<112xf32, #tpu.memory_space<vmem>>[vector<16xi32>], vector<16xf32>,
        %parallel_loop3A_220 = arith.index_cast %parallel_loop3A_144 : i32 to index
        %parallel_loop3A_221 = arith.index_cast %parallel_loop3A_160 : i32 to index
        %parallel_loop3A_222 = arith.constant 96 : index
        %parallel_loop3A_223 = tpu.vector_load %arg9[%parallel_loop3A_220, %parallel_loop3A_221, %parallel_loop3A_222] {strides = array<i32>} : memref<25x8x128xf32, #tpu.memory_space<vmem>>, vector<16xf32>,
        tpu.vector_store %arg9[%parallel_loop3A_220, %parallel_loop3A_221, %parallel_loop3A_222], %parallel_loop3A_219 {strides = array<i32>} : memref<25x8x128xf32, #tpu.memory_space<vmem>>, vector<16xf32>,
        %parallel_loop3A_224 = arith.index_cast %parallel_loop3A_144 : i32 to index
        %parallel_loop3A_225 = arith.index_cast %parallel_loop3A_160 : i32 to index
        %parallel_loop3A_226 = arith.constant 112 : index
        %parallel_loop3A_227 = tpu.vector_load %arg7[%parallel_loop3A_224, %parallel_loop3A_225, %parallel_loop3A_226] {strides = array<i32>} : memref<25x8x128xi32, #tpu.memory_space<vmem>>, vector<16xi32>,
        %parallel_loop3A_228 = tpu.vector_load_idx %arg6[%parallel_loop3A_227] : memref<112xf32, #tpu.memory_space<vmem>>[vector<16xi32>], vector<16xf32>,
        %parallel_loop3A_229 = arith.index_cast %parallel_loop3A_144 : i32 to index
        %parallel_loop3A_230 = arith.index_cast %parallel_loop3A_160 : i32 to index
        %parallel_loop3A_231 = arith.constant 112 : index
        %parallel_loop3A_232 = tpu.vector_load %arg9[%parallel_loop3A_229, %parallel_loop3A_230, %parallel_loop3A_231] {strides = array<i32>} : memref<25x8x128xf32, #tpu.memory_space<vmem>>, vector<16xf32>,
        tpu.vector_store %arg9[%parallel_loop3A_229, %parallel_loop3A_230, %parallel_loop3A_231], %parallel_loop3A_228 {strides = array<i32>} : memref<25x8x128xf32, #tpu.memory_space<vmem>>, vector<16xf32>,
      } {sc.loop_unroll_factor = 1 : i64, sc.parallel_access}
      %add3A_67 = arith.addi %mul3A_2, %add3A_51 : i32
      %mul3A_68 = arith.constant 128 : i32
      %mul3A_69 = arith.muli %add3A_67, %mul3A_68 : i32
      %dma_start3A_70 = arith.constant 0 : i32
      %dma_start3A_71 = arith.constant 0 : i32
      %dma_start3A_72 = tpu.memref_slice %arg4[%dma_start3A_70, %dma_start3A_71, %mul3A_69] : memref<25x8x16384xf32, #tpu.memory_space<hbm>> -> memref<25x8x128xf32, #tpu.memory_space<hbm>>
      %dma_start3A_73 = arith.constant 0 : i32
      %dma_start3A_74 = arith.constant 0 : i32
      %dma_start3A_75 = tpu.memref_slice %arg4[%dma_start3A_73, %dma_start3A_74, %mul3A_69] : memref<25x8x16384xf32, #tpu.memory_space<hbm>> -> memref<25x8x128xf32, #tpu.memory_space<hbm>>
      tpu.enqueue_dma source(%arg9 : memref<25x8x128xf32, #tpu.memory_space<vmem>>) target(%dma_start3A_75 : memref<25x8x128xf32, #tpu.memory_space<hbm>>) target_semaphore(%arg13 : memref<!tpu.dma_semaphore, #tpu.memory_space<semaphore_mem>>)
      %add3A_76 = arith.constant 2 : i32
      %add3A_77 = arith.addi %add3A_51, %add3A_76 : i32
      %lt3A = arith.constant 4 : i32
      %lt3A_78 = arith.cmpi slt, %add3A_77, %lt3A : i32
      %convert_element_type3A_79 = arith.extui %lt3A_78 : i1 to i32
      %cond3A_80 = arith.constant 0 : i32
      %cond3A_81 = arith.cmpi ne, %convert_element_type3A_79, %cond3A_80 : i32
      scf.if %cond3A_81 {
        %add3A_120 = arith.addi %mul3A_2, %add3A_51 : i32
        %add3A_121 = arith.constant 2 : i32
        %add3A_122 = arith.addi %add3A_120, %add3A_121 : i32
        %dma_start3A_123 = arith.constant 0 : i32
        %dma_start3A_124 = arith.constant 0 : i32
        %dma_start3A_125 = arith.constant 0 : i32
        %dma_start3A_126 = tpu.memref_slice %arg2[%dma_start3A_123, %add3A_122, %dma_start3A_124, %dma_start3A_125] : memref<25x128x8x128xi32, #tpu.memory_space<hbm>> -> memref<25x1x8x128xi32, #tpu.memory_space<hbm>>
        %dma_start3A_127 = tpu.memref_squeeze %dma_start3A_126 : memref<25x1x8x128xi32, #tpu.memory_space<hbm>> -> memref<25x8x128xi32, #tpu.memory_space<hbm>>
        %dma_start3A_128 = arith.constant 0 : i32
        %dma_start3A_129 = arith.constant 0 : i32
        %dma_start3A_130 = arith.constant 0 : i32
        %dma_start3A_131 = tpu.memref_slice %arg2[%dma_start3A_128, %add3A_122, %dma_start3A_129, %dma_start3A_130] : memref<25x128x8x128xi32, #tpu.memory_space<hbm>> -> memref<25x1x8x128xi32, #tpu.memory_space<hbm>>
        %dma_start3A_132 = tpu.memref_squeeze %dma_start3A_131 : memref<25x1x8x128xi32, #tpu.memory_space<hbm>> -> memref<25x8x128xi32, #tpu.memory_space<hbm>>
        tpu.enqueue_dma source(%dma_start3A_132 : memref<25x8x128xi32, #tpu.memory_space<hbm>>) target(%arg7 : memref<25x8x128xi32, #tpu.memory_space<vmem>>) target_semaphore(%arg11 : memref<!tpu.dma_semaphore, #tpu.memory_space<semaphore_mem>>)
      } else {
      }
      %mul3A_82 = arith.constant 2 : i32
      %mul3A_83 = arith.muli %mul3A_82, %scan3A_47 : i32
      %add3A_84 = arith.constant 1 : i32
      %add3A_85 = arith.addi %mul3A_83, %add3A_84 : i32
      %dma_wait3A_86 = arith.constant 0 : i32
      %dma_wait3A_87 = arith.constant 0 : i32
      %dma_wait3A_88 = arith.constant 0 : i32
      %dma_wait3A_89 = tpu.memref_slice %arg2[%dma_wait3A_86, %mul3A_2, %dma_wait3A_87, %dma_wait3A_88] : memref<25x128x8x128xi32, #tpu.memory_space<hbm>> -> memref<25x1x8x128xi32, #tpu.memory_space<hbm>>
      %dma_wait3A_90 = tpu.memref_squeeze %dma_wait3A_89 : memref<25x1x8x128xi32, #tpu.memory_space<hbm>> -> memref<25x8x128xi32, #tpu.memory_space<hbm>>
      %dma_wait3A_91 = arith.constant 0 : i32
      %dma_wait3A_92 = arith.constant 0 : i32
      %dma_wait3A_93 = arith.constant 0 : i32
      %dma_wait3A_94 = tpu.memref_slice %arg2[%dma_wait3A_91, %mul3A_2, %dma_wait3A_92, %dma_wait3A_93] : memref<25x128x8x128xi32, #tpu.memory_space<hbm>> -> memref<25x1x8x128xi32, #tpu.memory_space<hbm>>
      %dma_wait3A_95 = tpu.memref_squeeze %dma_wait3A_94 : memref<25x1x8x128xi32, #tpu.memory_space<hbm>> -> memref<25x8x128xi32, #tpu.memory_space<hbm>>
      tpu.wait_dma2 semaphore(%arg12 : memref<!tpu.dma_semaphore, #tpu.memory_space<semaphore_mem>>) src(%dma_wait3A_95 : memref<25x8x128xi32, #tpu.memory_space<hbm>>) dst(%arg8 : memref<25x8x128xi32, #tpu.memory_space<vmem>>)
      %gt3A_96 = arith.constant 0 : i32
      %gt3A_97 = arith.cmpi sgt, %scan3A_47, %gt3A_96 : i32
      %convert_element_type3A_98 = arith.extui %gt3A_97 : i1 to i32
      %cond3A_99 = arith.constant 0 : i32
      %cond3A_100 = arith.cmpi ne, %convert_element_type3A_98, %cond3A_99 : i32
      scf.if %cond3A_100 {
        %dma_wait3A_120 = arith.constant 0 : i32
        %dma_wait3A_121 = arith.constant 0 : i32
        %dma_wait3A_122 = arith.constant 0 : i32
        %dma_wait3A_123 = tpu.memref_slice %arg4[%dma_wait3A_120, %dma_wait3A_121, %dma_wait3A_122] : memref<25x8x16384xf32, #tpu.memory_space<hbm>> -> memref<25x8x128xf32, #tpu.memory_space<hbm>>
        %dma_wait3A_124 = arith.constant 0 : i32
        %dma_wait3A_125 = arith.constant 0 : i32
        %dma_wait3A_126 = arith.constant 0 : i32
        %dma_wait3A_127 = tpu.memref_slice %arg4[%dma_wait3A_124, %dma_wait3A_125, %dma_wait3A_126] : memref<25x8x16384xf32, #tpu.memory_space<hbm>> -> memref<25x8x128xf32, #tpu.memory_space<hbm>>
        tpu.wait_dma2 semaphore(%arg14 : memref<!tpu.dma_semaphore, #tpu.memory_space<semaphore_mem>>) src(%arg10 : memref<25x8x128xf32, #tpu.memory_space<vmem>>) dst(%dma_wait3A_127 : memref<25x8x128xf32, #tpu.memory_space<hbm>>)
      } else {
      }
      %parallel_loop3A_101 = arith.constant 0 : i32
      %parallel_loop3A_102 = arith.constant 200 : i32
      %parallel_loop3A_103 = arith.constant 1 : i32
      scf.for %parallel_loop3A_120 = %parallel_loop3A_101 to %parallel_loop3A_102 step %parallel_loop3A_103  : i32 {
        %parallel_loop3A_121 = arith.constant 8 : i32
        %parallel_loop3A_122 = arith.divsi %parallel_loop3A_120, %parallel_loop3A_121 : i32
        %parallel_loop3A_123 = arith.constant 0 : i32
        %parallel_loop3A_124 = arith.cmpi sgt, %parallel_loop3A_120, %parallel_loop3A_123 : i32
        %parallel_loop3A_125 = arith.extui %parallel_loop3A_124 : i1 to i32
        %parallel_loop3A_126 = arith.constant 0 : i32
        %parallel_loop3A_127 = arith.cmpi slt, %parallel_loop3A_120, %parallel_loop3A_126 : i32
        %parallel_loop3A_128 = arith.extui %parallel_loop3A_127 : i1 to i32
        %parallel_loop3A_129 = arith.subi %parallel_loop3A_125, %parallel_loop3A_128 : i32
        %parallel_loop3A_130 = arith.constant 0 : i32
        %parallel_loop3A_131 = arith.cmpi sgt, %parallel_loop3A_121, %parallel_loop3A_130 : i32
        %parallel_loop3A_132 = arith.extui %parallel_loop3A_131 : i1 to i32
        %parallel_loop3A_133 = arith.constant 0 : i32
        %parallel_loop3A_134 = arith.cmpi slt, %parallel_loop3A_121, %parallel_loop3A_133 : i32
        %parallel_loop3A_135 = arith.extui %parallel_loop3A_134 : i1 to i32
        %parallel_loop3A_136 = arith.subi %parallel_loop3A_132, %parallel_loop3A_135 : i32
        %parallel_loop3A_137 = arith.cmpi ne, %parallel_loop3A_129, %parallel_loop3A_136 : i32
        %parallel_loop3A_138 = arith.remsi %parallel_loop3A_120, %parallel_loop3A_121 : i32
        %parallel_loop3A_139 = arith.constant 0 : i32
        %parallel_loop3A_140 = arith.cmpi ne, %parallel_loop3A_138, %parallel_loop3A_139 : i32
        %parallel_loop3A_141 = arith.andi %parallel_loop3A_137, %parallel_loop3A_140 : i1
        %parallel_loop3A_142 = arith.constant 1 : i32
        %parallel_loop3A_143 = arith.subi %parallel_loop3A_122, %parallel_loop3A_142 : i32
        %parallel_loop3A_144 = arith.select %parallel_loop3A_141, %parallel_loop3A_143, %parallel_loop3A_122 : i32
        %parallel_loop3A_145 = arith.constant 8 : i32
        %parallel_loop3A_146 = arith.constant 0 : i32
        %parallel_loop3A_147 = arith.cmpi eq, %parallel_loop3A_145, %parallel_loop3A_146 : i32
        %parallel_loop3A_148 = arith.constant 1 : i32
        %parallel_loop3A_149 = arith.select %parallel_loop3A_147, %parallel_loop3A_148, %parallel_loop3A_145 : i32
        %parallel_loop3A_150 = arith.remsi %parallel_loop3A_120, %parallel_loop3A_149 : i32
        %parallel_loop3A_151 = arith.constant 0 : i32
        %parallel_loop3A_152 = arith.cmpi ne, %parallel_loop3A_150, %parallel_loop3A_151 : i32
        %parallel_loop3A_153 = arith.constant 0 : i32
        %parallel_loop3A_154 = arith.cmpi slt, %parallel_loop3A_150, %parallel_loop3A_153 : i32
        %parallel_loop3A_155 = arith.constant 0 : i32
        %parallel_loop3A_156 = arith.cmpi slt, %parallel_loop3A_149, %parallel_loop3A_155 : i32
        %parallel_loop3A_157 = arith.xori %parallel_loop3A_154, %parallel_loop3A_156 : i1
        %parallel_loop3A_158 = arith.andi %parallel_loop3A_157, %parallel_loop3A_152 : i1
        %parallel_loop3A_159 = arith.addi %parallel_loop3A_150, %parallel_loop3A_149 : i32
        %parallel_loop3A_160 = arith.select %parallel_loop3A_158, %parallel_loop3A_159, %parallel_loop3A_150 : i32
        %parallel_loop3A_161 = arith.index_cast %parallel_loop3A_144 : i32 to index
        %parallel_loop3A_162 = arith.index_cast %parallel_loop3A_160 : i32 to index
        %parallel_loop3A_163 = arith.constant 0 : index
        %parallel_loop3A_164 = tpu.vector_load %arg8[%parallel_loop3A_161, %parallel_loop3A_162, %parallel_loop3A_163] {strides = array<i32>} : memref<25x8x128xi32, #tpu.memory_space<vmem>>, vector<16xi32>,
        %parallel_loop3A_165 = tpu.vector_load_idx %arg6[%parallel_loop3A_164] : memref<112xf32, #tpu.memory_space<vmem>>[vector<16xi32>], vector<16xf32>,
        %parallel_loop3A_166 = arith.index_cast %parallel_loop3A_144 : i32 to index
        %parallel_loop3A_167 = arith.index_cast %parallel_loop3A_160 : i32 to index
        %parallel_loop3A_168 = arith.constant 0 : index
        %parallel_loop3A_169 = tpu.vector_load %arg10[%parallel_loop3A_166, %parallel_loop3A_167, %parallel_loop3A_168] {strides = array<i32>} : memref<25x8x128xf32, #tpu.memory_space<vmem>>, vector<16xf32>,
        tpu.vector_store %arg10[%parallel_loop3A_166, %parallel_loop3A_167, %parallel_loop3A_168], %parallel_loop3A_165 {strides = array<i32>} : memref<25x8x128xf32, #tpu.memory_space<vmem>>, vector<16xf32>,
        %parallel_loop3A_170 = arith.index_cast %parallel_loop3A_144 : i32 to index
        %parallel_loop3A_171 = arith.index_cast %parallel_loop3A_160 : i32 to index
        %parallel_loop3A_172 = arith.constant 16 : index
        %parallel_loop3A_173 = tpu.vector_load %arg8[%parallel_loop3A_170, %parallel_loop3A_171, %parallel_loop3A_172] {strides = array<i32>} : memref<25x8x128xi32, #tpu.memory_space<vmem>>, vector<16xi32>,
        %parallel_loop3A_174 = tpu.vector_load_idx %arg6[%parallel_loop3A_173] : memref<112xf32, #tpu.memory_space<vmem>>[vector<16xi32>], vector<16xf32>,
        %parallel_loop3A_175 = arith.index_cast %parallel_loop3A_144 : i32 to index
        %parallel_loop3A_176 = arith.index_cast %parallel_loop3A_160 : i32 to index
        %parallel_loop3A_177 = arith.constant 16 : index
        %parallel_loop3A_178 = tpu.vector_load %arg10[%parallel_loop3A_175, %parallel_loop3A_176, %parallel_loop3A_177] {strides = array<i32>} : memref<25x8x128xf32, #tpu.memory_space<vmem>>, vector<16xf32>,
        tpu.vector_store %arg10[%parallel_loop3A_175, %parallel_loop3A_176, %parallel_loop3A_177], %parallel_loop3A_174 {strides = array<i32>} : memref<25x8x128xf32, #tpu.memory_space<vmem>>, vector<16xf32>,
        %parallel_loop3A_179 = arith.index_cast %parallel_loop3A_144 : i32 to index
        %parallel_loop3A_180 = arith.index_cast %parallel_loop3A_160 : i32 to index
        %parallel_loop3A_181 = arith.constant 32 : index
        %parallel_loop3A_182 = tpu.vector_load %arg8[%parallel_loop3A_179, %parallel_loop3A_180, %parallel_loop3A_181] {strides = array<i32>} : memref<25x8x128xi32, #tpu.memory_space<vmem>>, vector<16xi32>,
        %parallel_loop3A_183 = tpu.vector_load_idx %arg6[%parallel_loop3A_182] : memref<112xf32, #tpu.memory_space<vmem>>[vector<16xi32>], vector<16xf32>,
        %parallel_loop3A_184 = arith.index_cast %parallel_loop3A_144 : i32 to index
        %parallel_loop3A_185 = arith.index_cast %parallel_loop3A_160 : i32 to index
        %parallel_loop3A_186 = arith.constant 32 : index
        %parallel_loop3A_187 = tpu.vector_load %arg10[%parallel_loop3A_184, %parallel_loop3A_185, %parallel_loop3A_186] {strides = array<i32>} : memref<25x8x128xf32, #tpu.memory_space<vmem>>, vector<16xf32>,
        tpu.vector_store %arg10[%parallel_loop3A_184, %parallel_loop3A_185, %parallel_loop3A_186], %parallel_loop3A_183 {strides = array<i32>} : memref<25x8x128xf32, #tpu.memory_space<vmem>>, vector<16xf32>,
        %parallel_loop3A_188 = arith.index_cast %parallel_loop3A_144 : i32 to index
        %parallel_loop3A_189 = arith.index_cast %parallel_loop3A_160 : i32 to index
        %parallel_loop3A_190 = arith.constant 48 : index
        %parallel_loop3A_191 = tpu.vector_load %arg8[%parallel_loop3A_188, %parallel_loop3A_189, %parallel_loop3A_190] {strides = array<i32>} : memref<25x8x128xi32, #tpu.memory_space<vmem>>, vector<16xi32>,
        %parallel_loop3A_192 = tpu.vector_load_idx %arg6[%parallel_loop3A_191] : memref<112xf32, #tpu.memory_space<vmem>>[vector<16xi32>], vector<16xf32>,
        %parallel_loop3A_193 = arith.index_cast %parallel_loop3A_144 : i32 to index
        %parallel_loop3A_194 = arith.index_cast %parallel_loop3A_160 : i32 to index
        %parallel_loop3A_195 = arith.constant 48 : index
        %parallel_loop3A_196 = tpu.vector_load %arg10[%parallel_loop3A_193, %parallel_loop3A_194, %parallel_loop3A_195] {strides = array<i32>} : memref<25x8x128xf32, #tpu.memory_space<vmem>>, vector<16xf32>,
        tpu.vector_store %arg10[%parallel_loop3A_193, %parallel_loop3A_194, %parallel_loop3A_195], %parallel_loop3A_192 {strides = array<i32>} : memref<25x8x128xf32, #tpu.memory_space<vmem>>, vector<16xf32>,
        %parallel_loop3A_197 = arith.index_cast %parallel_loop3A_144 : i32 to index
        %parallel_loop3A_198 = arith.index_cast %parallel_loop3A_160 : i32 to index
        %parallel_loop3A_199 = arith.constant 64 : index
        %parallel_loop3A_200 = tpu.vector_load %arg8[%parallel_loop3A_197, %parallel_loop3A_198, %parallel_loop3A_199] {strides = array<i32>} : memref<25x8x128xi32, #tpu.memory_space<vmem>>, vector<16xi32>,
        %parallel_loop3A_201 = tpu.vector_load_idx %arg6[%parallel_loop3A_200] : memref<112xf32, #tpu.memory_space<vmem>>[vector<16xi32>], vector<16xf32>,
        %parallel_loop3A_202 = arith.index_cast %parallel_loop3A_144 : i32 to index
        %parallel_loop3A_203 = arith.index_cast %parallel_loop3A_160 : i32 to index
        %parallel_loop3A_204 = arith.constant 64 : index
        %parallel_loop3A_205 = tpu.vector_load %arg10[%parallel_loop3A_202, %parallel_loop3A_203, %parallel_loop3A_204] {strides = array<i32>} : memref<25x8x128xf32, #tpu.memory_space<vmem>>, vector<16xf32>,
        tpu.vector_store %arg10[%parallel_loop3A_202, %parallel_loop3A_203, %parallel_loop3A_204], %parallel_loop3A_201 {strides = array<i32>} : memref<25x8x128xf32, #tpu.memory_space<vmem>>, vector<16xf32>,
        %parallel_loop3A_206 = arith.index_cast %parallel_loop3A_144 : i32 to index
        %parallel_loop3A_207 = arith.index_cast %parallel_loop3A_160 : i32 to index
        %parallel_loop3A_208 = arith.constant 80 : index
        %parallel_loop3A_209 = tpu.vector_load %arg8[%parallel_loop3A_206, %parallel_loop3A_207, %parallel_loop3A_208] {strides = array<i32>} : memref<25x8x128xi32, #tpu.memory_space<vmem>>, vector<16xi32>,
        %parallel_loop3A_210 = tpu.vector_load_idx %arg6[%parallel_loop3A_209] : memref<112xf32, #tpu.memory_space<vmem>>[vector<16xi32>], vector<16xf32>,
        %parallel_loop3A_211 = arith.index_cast %parallel_loop3A_144 : i32 to index
        %parallel_loop3A_212 = arith.index_cast %parallel_loop3A_160 : i32 to index
        %parallel_loop3A_213 = arith.constant 80 : index
        %parallel_loop3A_214 = tpu.vector_load %arg10[%parallel_loop3A_211, %parallel_loop3A_212, %parallel_loop3A_213] {strides = array<i32>} : memref<25x8x128xf32, #tpu.memory_space<vmem>>, vector<16xf32>,
        tpu.vector_store %arg10[%parallel_loop3A_211, %parallel_loop3A_212, %parallel_loop3A_213], %parallel_loop3A_210 {strides = array<i32>} : memref<25x8x128xf32, #tpu.memory_space<vmem>>, vector<16xf32>,
        %parallel_loop3A_215 = arith.index_cast %parallel_loop3A_144 : i32 to index
        %parallel_loop3A_216 = arith.index_cast %parallel_loop3A_160 : i32 to index
        %parallel_loop3A_217 = arith.constant 96 : index
        %parallel_loop3A_218 = tpu.vector_load %arg8[%parallel_loop3A_215, %parallel_loop3A_216, %parallel_loop3A_217] {strides = array<i32>} : memref<25x8x128xi32, #tpu.memory_space<vmem>>, vector<16xi32>,
        %parallel_loop3A_219 = tpu.vector_load_idx %arg6[%parallel_loop3A_218] : memref<112xf32, #tpu.memory_space<vmem>>[vector<16xi32>], vector<16xf32>,
        %parallel_loop3A_220 = arith.index_cast %parallel_loop3A_144 : i32 to index
        %parallel_loop3A_221 = arith.index_cast %parallel_loop3A_160 : i32 to index
        %parallel_loop3A_222 = arith.constant 96 : index
        %parallel_loop3A_223 = tpu.vector_load %arg10[%parallel_loop3A_220, %parallel_loop3A_221, %parallel_loop3A_222] {strides = array<i32>} : memref<25x8x128xf32, #tpu.memory_space<vmem>>, vector<16xf32>,
        tpu.vector_store %arg10[%parallel_loop3A_220, %parallel_loop3A_221, %parallel_loop3A_222], %parallel_loop3A_219 {strides = array<i32>} : memref<25x8x128xf32, #tpu.memory_space<vmem>>, vector<16xf32>,
        %parallel_loop3A_224 = arith.index_cast %parallel_loop3A_144 : i32 to index
        %parallel_loop3A_225 = arith.index_cast %parallel_loop3A_160 : i32 to index
        %parallel_loop3A_226 = arith.constant 112 : index
        %parallel_loop3A_227 = tpu.vector_load %arg8[%parallel_loop3A_224, %parallel_loop3A_225, %parallel_loop3A_226] {strides = array<i32>} : memref<25x8x128xi32, #tpu.memory_space<vmem>>, vector<16xi32>,
        %parallel_loop3A_228 = tpu.vector_load_idx %arg6[%parallel_loop3A_227] : memref<112xf32, #tpu.memory_space<vmem>>[vector<16xi32>], vector<16xf32>,
        %parallel_loop3A_229 = arith.index_cast %parallel_loop3A_144 : i32 to index
        %parallel_loop3A_230 = arith.index_cast %parallel_loop3A_160 : i32 to index
        %parallel_loop3A_231 = arith.constant 112 : index
        %parallel_loop3A_232 = tpu.vector_load %arg10[%parallel_loop3A_229, %parallel_loop3A_230, %parallel_loop3A_231] {strides = array<i32>} : memref<25x8x128xf32, #tpu.memory_space<vmem>>, vector<16xf32>,
        tpu.vector_store %arg10[%parallel_loop3A_229, %parallel_loop3A_230, %parallel_loop3A_231], %parallel_loop3A_228 {strides = array<i32>} : memref<25x8x128xf32, #tpu.memory_space<vmem>>, vector<16xf32>,
      } {sc.loop_unroll_factor = 1 : i64, sc.parallel_access}
      %add3A_104 = arith.addi %mul3A_2, %add3A_85 : i32
      %mul3A_105 = arith.constant 128 : i32
      %mul3A_106 = arith.muli %add3A_104, %mul3A_105 : i32
      %dma_start3A_107 = arith.constant 0 : i32
      %dma_start3A_108 = arith.constant 0 : i32
      %dma_start3A_109 = tpu.memref_slice %arg4[%dma_start3A_107, %dma_start3A_108, %mul3A_106] : memref<25x8x16384xf32, #tpu.memory_space<hbm>> -> memref<25x8x128xf32, #tpu.memory_space<hbm>>
      %dma_start3A_110 = arith.constant 0 : i32
      %dma_start3A_111 = arith.constant 0 : i32
      %dma_start3A_112 = tpu.memref_slice %arg4[%dma_start3A_110, %dma_start3A_111, %mul3A_106] : memref<25x8x16384xf32, #tpu.memory_space<hbm>> -> memref<25x8x128xf32, #tpu.memory_space<hbm>>
      tpu.enqueue_dma source(%arg10 : memref<25x8x128xf32, #tpu.memory_space<vmem>>) target(%dma_start3A_112 : memref<25x8x128xf32, #tpu.memory_space<hbm>>) target_semaphore(%arg14 : memref<!tpu.dma_semaphore, #tpu.memory_space<semaphore_mem>>)
      %add3A_113 = arith.constant 2 : i32
      %add3A_114 = arith.addi %add3A_85, %add3A_113 : i32
      %lt3A_115 = arith.constant 4 : i32
      %lt3A_116 = arith.cmpi slt, %add3A_114, %lt3A_115 : i32
      %convert_element_type3A_117 = arith.extui %lt3A_116 : i1 to i32
      %cond3A_118 = arith.constant 0 : i32
      %cond3A_119 = arith.cmpi ne, %convert_element_type3A_117, %cond3A_118 : i32
      scf.if %cond3A_119 {
        %add3A_120 = arith.addi %mul3A_2, %add3A_85 : i32
        %add3A_121 = arith.constant 2 : i32
        %add3A_122 = arith.addi %add3A_120, %add3A_121 : i32
        %dma_start3A_123 = arith.constant 0 : i32
        %dma_start3A_124 = arith.constant 0 : i32
        %dma_start3A_125 = arith.constant 0 : i32
        %dma_start3A_126 = tpu.memref_slice %arg2[%dma_start3A_123, %add3A_122, %dma_start3A_124, %dma_start3A_125] : memref<25x128x8x128xi32, #tpu.memory_space<hbm>> -> memref<25x1x8x128xi32, #tpu.memory_space<hbm>>
        %dma_start3A_127 = tpu.memref_squeeze %dma_start3A_126 : memref<25x1x8x128xi32, #tpu.memory_space<hbm>> -> memref<25x8x128xi32, #tpu.memory_space<hbm>>
        %dma_start3A_128 = arith.constant 0 : i32
        %dma_start3A_129 = arith.constant 0 : i32
        %dma_start3A_130 = arith.constant 0 : i32
        %dma_start3A_131 = tpu.memref_slice %arg2[%dma_start3A_128, %add3A_122, %dma_start3A_129, %dma_start3A_130] : memref<25x128x8x128xi32, #tpu.memory_space<hbm>> -> memref<25x1x8x128xi32, #tpu.memory_space<hbm>>
        %dma_start3A_132 = tpu.memref_squeeze %dma_start3A_131 : memref<25x1x8x128xi32, #tpu.memory_space<hbm>> -> memref<25x8x128xi32, #tpu.memory_space<hbm>>
        tpu.enqueue_dma source(%dma_start3A_132 : memref<25x8x128xi32, #tpu.memory_space<hbm>>) target(%arg8 : memref<25x8x128xi32, #tpu.memory_space<vmem>>) target_semaphore(%arg12 : memref<!tpu.dma_semaphore, #tpu.memory_space<semaphore_mem>>)
      } else {
      }
    }
    %scan3A_31 = arith.constant 2 : i32
    %dma_wait3A = arith.constant 0 : i32
    %dma_wait3A_32 = arith.constant 0 : i32
    %dma_wait3A_33 = arith.constant 0 : i32
    %dma_wait3A_34 = tpu.memref_slice %arg4[%dma_wait3A, %dma_wait3A_32, %dma_wait3A_33] : memref<25x8x16384xf32, #tpu.memory_space<hbm>> -> memref<25x8x128xf32, #tpu.memory_space<hbm>>
    %dma_wait3A_35 = arith.constant 0 : i32
    %dma_wait3A_36 = arith.constant 0 : i32
    %dma_wait3A_37 = arith.constant 0 : i32
    %dma_wait3A_38 = tpu.memref_slice %arg4[%dma_wait3A_35, %dma_wait3A_36, %dma_wait3A_37] : memref<25x8x16384xf32, #tpu.memory_space<hbm>> -> memref<25x8x128xf32, #tpu.memory_space<hbm>>
    tpu.wait_dma2 semaphore(%arg13 : memref<!tpu.dma_semaphore, #tpu.memory_space<semaphore_mem>>) src(%arg9 : memref<25x8x128xf32, #tpu.memory_space<vmem>>) dst(%dma_wait3A_38 : memref<25x8x128xf32, #tpu.memory_space<hbm>>)
    %dma_wait3A_39 = arith.constant 0 : i32
    %dma_wait3A_40 = arith.constant 0 : i32
    %dma_wait3A_41 = arith.constant 0 : i32
    %dma_wait3A_42 = tpu.memref_slice %arg4[%dma_wait3A_39, %dma_wait3A_40, %dma_wait3A_41] : memref<25x8x16384xf32, #tpu.memory_space<hbm>> -> memref<25x8x128xf32, #tpu.memory_space<hbm>>
    %dma_wait3A_43 = arith.constant 0 : i32
    %dma_wait3A_44 = arith.constant 0 : i32
    %dma_wait3A_45 = arith.constant 0 : i32
    %dma_wait3A_46 = tpu.memref_slice %arg4[%dma_wait3A_43, %dma_wait3A_44, %dma_wait3A_45] : memref<25x8x16384xf32, #tpu.memory_space<hbm>> -> memref<25x8x128xf32, #tpu.memory_space<hbm>>
    tpu.wait_dma2 semaphore(%arg14 : memref<!tpu.dma_semaphore, #tpu.memory_space<semaphore_mem>>) src(%arg10 : memref<25x8x128xf32, #tpu.memory_space<vmem>>) dst(%dma_wait3A_46 : memref<25x8x128xf32, #tpu.memory_space<hbm>>)
    return
  }
}

</mosaic_0001>

<sc_bundles>
// kernel: kernel.3.cloned.1.call-start
scs
__scs_entry_jumppad:
0x0: {  	(pc) =	sbr.rel $0x88, $3  }
0x1: {  	(tag) =	ssettag $0x0;
	lr =	simm.s32 $0x1  }
0x2: {  	[smem:$0x3F9D] =	sst lr;
	_ =	strace $0xD0000000  }
0x3: {  	_ = 	snop  }
0x4: {  	_ = 	snop  }
0x5: {  	_ = 	snop  }
0x6: {  	_ = 	snop  }
0x7: {  	_ = 	snop  }
__scs_overlays_trampoline_lowered:
0x8: {  	[smem:$0x3FAC] =	sst s0  }
0x9: {  	[smem:$0x3FAD] =	sst s1  }
0xa: {  	[smem:$0x3FAE] =	sst s2  }
0xb: {  	[smem:$0x3FAF] =	sst s3  }
0xc: {  	[smem:$0x3FB0] =	sst s4  }
0xd: {  	[smem:$0x3FB1] =	sst s5  }
0xe: {  	[smem:$0x3FB2] =	sst s6  }
0xf: {  	[smem:$0x3FB3] =	sst s7  }
0x10: {  	[smem:$0x3FB4] =	sst s8  }
0x11: {  	[smem:$0x3FB5] =	sst s9;
	s0 =	simm.s32 @!p0 $0x0  }
0x12: {  	s1 =	sld [smem:$0x3F9B];
	s0 =	simm.s32 @p0 $0x1  }
0x13: {  	[smem:$0x3FB6] =	sst s0;
	s0 =	simm.s32 @!p1 $0x0  }
0x14: {  	s2 =	sld [smem:$0x3F9A];
	s0 =	simm.s32 @p1 $0x1  }
0x15: {  	[smem:$0x3FB7] =	sst s0;
	s0 =	simm.s32 @!p2 $0x0  }
0x16: {  	s3 =	sld [smem:$0x3FDB];
	s0 =	simm.s32 @p2 $0x1  }
0x17: {  	s4 =	simm.s32 $0x1BF5;
	[smem:$0x3FB9] =	sst s0  }
0x18: {  	s0 =	sld [smem:$0x3F9C];
	_ =	swait.ge [sflag:s4], $0x0  }
0x19: {  	s7 =	sld [smem:$0x3F9D]  }
0x1a: {  	s8 =	sadd.s32 $0xFFFFE003, lr  }
0x1b: {  	s9 =	sadd.s32 $0xFFFFFEF7, lr;
	s5 =	simm.s32 $0xFFFFFFFF;
	p2 =	slt.u32 s8, $0xFFFFF086  }
0x1c: {  	p1 =	slt.u32 s9, $0xF7A;
	s5 =	simm.s32 @!p2 $0x0  }
0x1d: {  	s5 =	simm.s32 @p1 $0x1;
	p0 =	seq.s32 s7, s2  }
0x1e: {  	s7 =	smul.u32 @!p0 $0xF7A, s2;
	p2 =	seq.s32 @!p0 s5, $0x0  }
0x1f: {  	s9 =	smul.u32 $0xF7A, s1;
	s8 =	simm.s32 @!p0 $0x1BF5;
	p2 =	por !p2, p0  }
0x20: {  	[sflag:s8] =	ssyncset.s32 @!p0 $0xFFFFF086;
	s6 =	sadd.s32 @!p0 s3, s7;
	s7 =	simm.s32 @!p0 $0x108  }
0x21: {  	s3 =	sadd.s32 s3, s9;
	s6 =	sadd.s32 @!p0 $0x88, s6;
	s7 =	simm.s32 @p2 $0x1082  }
0x22: {  	[simem:s7], [sflag:s8] =	dma.local @!p0 [hbm:s6], $0xF7A  }
0x23: {  	s9 =	sor.u32 $0xD0000000, s2;
	s6 =	simm.s32 $0x108;
	_ =	swait.ge @!p0 [sflag:s8], $0x0  }
0x24: {  	s3 =	sadd.s32 $0x88, s3;
	s6 =	simm.s32 @!p1 $0x1082;
	[sflag:s4] =	ssyncset.s32 $0xFFFFF086  }
0x25: {  	[simem:s6], [sflag:s4] =	dma.local [hbm:s3], $0xF7A  }
0x26: {  	[smem:$0x3F9D] =	sst s1;
	(tag) =	ssettag s2;
	_ =	strace s9  }
0x27: {  	s1 =	sld [smem:$0x3FAD]  }
0x28: {  	s2 =	sld [smem:$0x3FAE]  }
0x29: {  	s4 =	sld [smem:$0x3FB0]  }
0x2a: {  	p0 =	seq.s32 s5, $0x0;
	s5 =	sld [smem:$0x3FB1]  }
0x2b: {  	s6 =	sld [smem:$0x3FB2]  }
0x2c: {  	s7 =	sld [smem:$0x3FB3]  }
0x2d: {  	s3 =	simm.s32 $0x108;
	s8 =	sld [smem:$0x3FB4]  }
0x2e: {  	s3 =	simm.s32 @!p0 $0x1082;
	s9 =	sld [smem:$0x3FB5]  }
0x2f: {  	lr =	sadd.s32 s0, s3;
	s0 =	sld [smem:$0x3FAC]  }
0x30: {  	s3 =	sld [smem:$0x3FAF]  }
0x31: {  	[smem:$0x3FB8] =	sst s10  }
0x32: {  	s10 =	sld [smem:$0x3FB6];
	_ =	sdelay $0x3  }
0x33: {  	p0 =	seq.s32 s10, $0x1;
	s10 =	sld [smem:$0x3FB8];
	_ =	sdelay $0x3  }
0x34: {  	[smem:$0x3FB8] =	sst s10  }
0x35: {  	s10 =	sld [smem:$0x3FB7];
	_ =	sdelay $0x3  }
0x36: {  	p1 =	seq.s32 s10, $0x1;
	s10 =	sld [smem:$0x3FB8];
	_ =	sdelay $0x3  }
0x37: {  	[smem:$0x3FB8] =	sst s10  }
0x38: {  	s10 =	sld [smem:$0x3FB9]  }
0x39: {  	_ = 	snop;
	(pc) =	sbr.ind lr, $3  }
0x3a: {  	_ = 	snop  }
0x3b: {  	_ = 	snop  }
0x3c: {  	p2 =	seq.s32 s10, $0x1;
	s10 =	sld [smem:$0x3FB8]  }
0x3d: {  	_ =	shalt  }
0x3e: {  	_ =	shalt  }
0x3f: {  	_ =	shalt  }
0x40: {  	_ =	shalt  }
0x41: {  	_ =	shalt  }
0x42: {  	_ =	shalt  }
0x43: {  	_ =	shalt  }
0x44: {  	_ =	shalt  }
0x45: {  	_ =	shalt  }
0x46: {  	_ =	shalt  }
0x47: {  	_ =	shalt  }
0x48: {  	_ =	shalt  }
0x49: {  	_ =	shalt  }
0x4a: {  	_ =	shalt  }
0x4b: {  	_ =	shalt  }
0x4c: {  	_ =	shalt  }
0x4d: {  	_ =	shalt  }
0x4e: {  	_ =	shalt  }
0x4f: {  	_ =	shalt  }
0x50: {  	_ =	shalt  }
0x51: {  	_ =	shalt  }
0x52: {  	_ =	shalt  }
0x53: {  	_ =	shalt  }
0x54: {  	_ =	shalt  }
0x55: {  	_ =	shalt  }
0x56: {  	_ =	shalt  }
0x57: {  	_ =	shalt  }
0x58: {  	_ =	shalt  }
0x59: {  	_ =	shalt  }
0x5a: {  	_ =	shalt  }
0x5b: {  	_ =	shalt  }
0x5c: {  	_ =	shalt  }
0x5d: {  	_ =	shalt  }
0x5e: {  	_ =	shalt  }
0x5f: {  	_ =	shalt  }
0x60: {  	_ =	shalt  }
0x61: {  	_ =	shalt  }
0x62: {  	_ =	shalt  }
0x63: {  	_ =	shalt  }
0x64: {  	_ =	shalt  }
0x65: {  	_ =	shalt  }
0x66: {  	_ =	shalt  }
0x67: {  	_ =	shalt  }
0x68: {  	_ =	shalt  }
0x69: {  	_ =	shalt  }
0x6a: {  	_ =	shalt  }
0x6b: {  	_ =	shalt  }
0x6c: {  	_ =	shalt  }
0x6d: {  	_ =	shalt  }
0x6e: {  	_ =	shalt  }
0x6f: {  	_ =	shalt  }
0x70: {  	_ =	shalt  }
0x71: {  	_ =	shalt  }
0x72: {  	_ =	shalt  }
0x73: {  	_ =	shalt  }
0x74: {  	_ =	shalt  }
0x75: {  	_ =	shalt  }
0x76: {  	_ =	shalt  }
0x77: {  	_ =	shalt  }
0x78: {  	_ =	shalt  }
0x79: {  	_ =	shalt  }
0x7a: {  	_ =	shalt  }
0x7b: {  	_ =	shalt  }
0x7c: {  	_ =	shalt  }
0x7d: {  	_ =	shalt  }
0x7e: {  	_ =	shalt  }
0x7f: {  	_ =	shalt  }
0x80: {  	_ =	shalt  }
0x81: {  	_ =	shalt  }
0x82: {  	_ =	shalt  }
0x83: {  	_ =	shalt  }
0x84: {  	_ =	shalt  }
0x85: {  	_ =	shalt  }
0x86: {  	_ =	shalt  }
0x87: {  	_ =	shalt  }
.Lfunc_end0:
.L_simem_size_0:
called_computation_lowered:
.L_overlay_start_0:
0x88: {  	s2 =	sld [smem:$0x3FD9]  }
0x89: {  	s3 =	sld [smem:$0x3FFE];
	_ =	sdelay $0x1  }
0x8a: {  	s1 =	srdreg.scid  }
0x8b: {  	s0 =	sand.u32 $0x1, s1  }
0x8c: {  	s17 =	sshll.u32 s0, $0xA;
	s2 =	sadd.s32 s3, s2  }
0x8d: {  	s2 =	sadd.s32 s2, s17  }
0x8e: {  	[smem:$0x3FC4] =	sst s2  }
0x8f: {  	_ = 	snop  }
0x90: {  	s2 =	sld [smem:$0x3FC9]  }
0x91: {  	s18 =	sld [smem:$0x3FD0];
	(tm) =	ssettm $0x1  }
0x92: {  	s4 =	sld [smem:$0x3FFB];
	_ =	sdelay $0x3  }
0x93: {  	_ =	strace s4  }
0x94: {  	s4 =	sld [smem:$0x3FFC];
	_ =	sdelay $0x3  }
0x95: {  	_ =	strace s4  }
0x96: {  	s4 =	sld [smem:$0x3FFD];
	_ =	sdelay $0x3  }
0x97: {  	_ =	strace s4  }
0x98: {  	_ =	strace $0x8FFFFFFF  }
0x99: {  	s19 =	sld [smem:$0x3FDB];
	_ =	sdelay $0x1  }
0x9a: {  	s5 =	simm.s32 $_scs_section_size  }
0x9b: {  	s6 =	simm.s32 $_size__tile_overlayer_lowered;
	s7 =	simm.s32 $_tile_overlayer_lowered  }
0x9c: {  	s22 =	simm.s32 $0x1BFF;
	s21 =	sshll.u32 s7, $0x1;
	s4 =	sadd.s32 s5, s19  }
0x9d: {  	s8 =	simm.s32 $0x0;
	s20 =	sshll.u32 s6, $0x1;
	s6 =	sadd.s32 s21, s4  }
0x9e: {  	[timem:s8], [sflag:s22] =	dma.local [hbm:s6], s20  }
0x9f: {  	_ =	swait.ge [sflag:s22], s20  }
0xa0: {  	s5 =	ssub.s32 $0x0, s20;
	[sflag:s22] =	ssyncset.done $0x0  }
0xa1: {  	[sflag:s22] =	ssyncadd.s32 s5;
	_ =	sdelay $0x1  }
0xa2: {  	s23 =	simm.s32 $0x1B8B  }
0xa3: {  	_ =	swait.ge [sflag:s23], $0x1  }
0xa4: {  	[sflag:s23] =	ssyncset.done $0x0  }
0xa5: {  	s25 =	simm.s32 $0x1B8E;
	s24 =	sld [smem:$0x3FFE];
	[sflag:s23] =	ssyncadd.s32 $0xFFFFFFFF  }
0xa6: {  	s26 =	simm.s32 $execute0_lowered;
	[smem:$0x3FD2] =	sst s25  }
0xa7: {  	s6 =	sshll.u32 s26, $0x1;
	_ =	strace $0x80000046;
	[dreg:$0x1] =	wrdreg $0xFFFFFFFF  }
0xa8: {  	s28 =	simm.s32 $_size_execute0_lowered;
	s4 =	sadd.s32 s4, s6;
	[dreg:$0x0] =	wrdreg $0x0  }
0xa9: {  	s6 =	sshll.u32 s28, $0x1;
	[dreg:$0x2] =	wrdreg s4  }
0xaa: {  	[dreg:$0x3] =	wrdreg s6  }
0xab: {  	[dreg:$0x4] =	wrdreg $0xC0  }
0xac: {  	_ =	task [dreg:s8], $0x5FFFF  }
0xad: {  	[dreg:$0x1] =	wrdreg $0xFFFFFFFF  }
0xae: {  	[dreg:$0x0] =	wrdreg $0x60  }
0xaf: {  	[dreg:$0x2] =	wrdreg s2  }
0xb0: {  	[dreg:$0x3] =	wrdreg s24  }
0xb1: {  	[dreg:$0x4] =	wrdreg s18  }
0xb2: {  	[dreg:$0x5] =	wrdreg $0x9  }
0xb3: {  	_ =	task.clear_ibuf [dreg:s8], $0x6FFFF;
	_ =	strace $0x90000046  }
0xb4: {  	s29 =	simm.s32 $0x9;
	_ =	strace $0x80000048  }
0xb5: {  	_ =	swait.ge [sflag:s29], $0x1  }
0xb6: {  	[sflag:s29] =	ssyncadd.s32 $0xFFFFFFFF  }
0xb7: {  	_ =	strace $0x90000048  }
0xb8: {  	_ =	sfence  }
0xb9: {  	s30 =	sld [smem:$0x0];
	_ =	sdelay $0x2  }
0xba: {  	s31 =	sshll.u32 s1, $0xD;
	s1 =	sshrl.u32 s1, $0x2  }
0xbb: {  	s3 =	sand.u32 $0x4000, s31;
	s1 =	sadd.s32 s1, s30  }
0xbc: {  	s0 =	sor.u32 s3, s0;
	s1 =	sshll.u32 s1, $0x11  }
0xbd: {  	s0 =	sor.u32 s1, s0  }
0xbe: {  	s0 =	sadd.s32 $0x8F2B, s0  }
0xbf: {  	[sflag:s0] =	ssyncadd.remote.s32 $0x1  }
0xc0: {  	_ =	sfence.sel $0xFFFF  }
0xc1: {  	[dreg:$0x0] =	wrdreg $0xFFFFFFFF;
	(pc) =	sbr.abs _section_cstart, $3  }
0xc2: {  	[dreg:$0x1] =	wrdreg $0xFFFFFFFF  }
0xc3: {  	_ =	task.clear_ibuf [dreg:s8], $0x2FFFF;
	_ =	strace $0x9FFFFFFF  }
0xc4: {  	(tm) =	ssettm $0x7FFFFFFF  }
0xc5: {  	_ =	shalt  }
tec
execute0_lowered:
.L_overlay_start_1:
0x0: {  	(tag) =	ssettag $0x1  }
0x1: {  	s0 =	rddreg [dreg:$0x0]  }
0x2: {  	s5 =	rddreg [dreg:$0x1]  }
0x3: {  	s2 =	rddreg [dreg:$0x2];
	s4 =	srdreg.scid  }
0x4: {  	s3 =	simm.s32 $0x0;
	s1 =	stileid.u32;
	s12 =	simm.s32 $0x20000  }
0x5: {  	s13 =	simm.s32 $0x470;
	s14 =	simm.s32 $0x5;
	s15 =	simm.s32 $0x400  }
0x6: {  	s16 =	simm.s32 $0x6870;
	s17 =	simm.s32 $0x1;
	s18 =	simm.s32 $0x80  }
0x7: {  	s19 =	simm.s32 $0x4000;
	s20 =	simm.s32 $0xCC70;
	s21 =	simm.s32 $0x13070  }
0x8: {  	s22 =	simm.s32 $0x3;
	s23 =	simm.s32 $0x4;
	s24 =	simm.s32 $0x0  }
0x9: {  	s6 =	sand.u32 $0x1, s4;
	[smem:$0x7FF] =	sst s3;
	s30 =	sshll.u32 s1, $0x3  }
.Ltmp0:
0xa: {  	s5 =	sadd.s32 $0x400, s5;
	s7 =	sshll.u32 s6, $0x2;
	(pc) =	sbr.rel .LBB2_1-.Ltmp0, $4  }
0xb: {  	v0 =	vimm.s32 $0x3F2;
	v1 =	vlaneseq.u32;
	v10 =	vimm.s32 $0x3F0;
	_ =	strace $0x80000047;
	s8 =	ssub.s32 $0x2, s6;
	s4 =	sor.u32 s7, s30  }
0xc: {  	v2 =	vimm.s32 $0x3E8;
	v3 =	vimm.s32 $0x3E9;
	v4 =	vimm.s32 $0x3EA;
	s10 =	sshrl.u32 s8, $0x1;
	s7 =	sadd.s32 $0x100, s0;
	s9 =	sshll.u32 s4, $0x7  }
0xd: {  	v5 =	vimm.s32 $0x3EB;
	v6 =	vimm.s32 $0x3EC;
	v11 =	vimm.s32 $0x3F1;
	s31 =	ssub.s32 s8, s10;
	s11 =	sor.u32 $0x1, s4;
	s6 =	sadd.s32 s0, s9  }
0xe: {  	v7 =	vimm.s32 $0x3ED;
	v8 =	vimm.s32 $0x3EE;
	v9 =	vimm.s32 $0x3EF;
	s9 =	sadd.s32 s9, s7;
	s10 =	smax.u32 s31, $0x1;
	s8 =	sadd.s32 $0x80, s6  }
.LBB2_18:
0xf: {  	s24 =	sadd.s32 $0x1, s24  }
0x10: {  	_ =	swait.ge [sflag:s22], $0x6400;
	p0 =	sne.s32 s24, s10  }
.Ltmp1:
0x11: {  	[sflag:s22] =	ssyncset.done $0x0;
	(pc) =	sbr.rel @!p0 .LBB2_19-.Ltmp1, $4  }
0x12: {  	[sflag:s22] =	ssyncadd.s32 $0xFFFF9C00  }
0x13: {  	_ =	swait.ge [sflag:s23], $0x6400  }
0x14: {  	[sflag:s23] =	ssyncset.done $0x0  }
0x15: {  	[sflag:s23] =	ssyncadd.s32 $0xFFFF9C00  }
.LBB2_1:
0x16: {  	[tilespmem:s13], [sflag:$0x1] =	stream.strided.gather [hbm4b:s6+s15], $0x6400, s12, s15, $0x38;
	[tilespmem:$0x19470] =	vst v63  }
0x17: {  	_ = 	snop  }
0x18: {  	[tilespmem:s3], [sflag:$0x5] =	stream.linear.gather [hbm4b:s5+s3], $0x400, $0x38;
	[tilespmem:$0x19470] =	vst v63  }
0x19: {  	_ =	swait.ge [sflag:s14], $0x400  }
0x1a: {  	v12 =	vor.u32 s3, v1;
	[sflag:s14] =	ssyncset.done $0x0  }
0x1b: {  	vm0 =	vlt.s32 v12, $0x63;
	[sflag:s14] =	ssyncadd.s32 $0xFFFFFC00  }
0x1c: {  	v13 =	vnsel vm0, $0x63, v12;
	v12 =	vld.idx.msk [tilespmem:v0+s3+$0x0], $0xffff  }
0x1d: {  	v16 =	vld.idx.msk [tilespmem:v2+s3+$0x0], $0xffff  }
0x1e: {  	v19 =	vld.idx.msk [tilespmem:v3+s3+$0x0], $0xffff  }
0x1f: {  	v21 =	vld.idx.msk [tilespmem:v4+s3+$0x0], $0xffff  }
0x20: {  	v23 =	vld.idx.msk [tilespmem:v5+s3+$0x0], $0xffff  }
0x21: {  	v14 =	vadd.s32 $0x64, v13;
	v25 =	vld.idx.msk [tilespmem:v6+s3+$0x0], $0xffff  }
0x22: {  	v15 =	vand.u32 $0x7F, v13;
	v20 =	vadd.s32 $0x12C, v13;
	v27 =	vld.idx.msk [tilespmem:v7+s3+$0x0], $0xffff  }
0x23: {  	v17 =	vadd.s32 $0xC8, v15;
	v29 =	vld.idx.msk [tilespmem:v9+s3+$0x0], $0xffff  }
0x24: {  	v28 =	vadd.s32 $0x2BC, v13;
	v18 =	vld.idx.msk [tilespmem:v13+s3+$0x0], $0xffff  }
0x25: {  	v22 =	vadd.s32 $0x190, v15;
	v62 =	vld.idx.msk [tilespmem:v5+s3+$0x0], $0xffff  }
0x26: {  	v26 =	vadd.s32 $0x258, v15;
	v14 =	vld.idx.msk [tilespmem:v14+s3+$0x0], $0xffff  }
0x27: {  	v15 =	vadd.s32 $0x320, v15;
	v20 =	vld.idx.msk [tilespmem:v20+s3+$0x0], $0xffff  }
0x28: {  	v24 =	vadd.s32 $0x1F4, v13;
	v17 =	vld.idx.msk [tilespmem:v17+s3+$0x0], $0xffff  }
0x29: {  	v28 =	vld.idx.msk [tilespmem:v28+s3+$0x0], $0xffff;
	v16 =	vmul.f32 v16, v18  }
0x2a: {  	s0 =	simm.s32 $0x10;
	v13 =	vadd.s32 $0x384, v13;
	v22 =	vld.idx.msk [tilespmem:v22+s3+$0x0], $0xffff  }
0x2b: {  	v26 =	vld.idx.msk [tilespmem:v26+s3+$0x0], $0xffff;
	v14 =	vmul.f32 v19, v14;
	v19 =	vor.u32 s0, v1;
	v16 =	vadd.f32 v16, v12  }
0x2c: {  	v15 =	vld.idx.msk [tilespmem:v15+s3+$0x0], $0xffff;
	vm15 =	vlt.s32 v19, $0x63  }
0x2d: {  	v18 =	vld.idx.msk [tilespmem:v24+s3+$0x0], $0xffff;
	v30 =	vnsel vm15, $0x63, v19;
	v14 =	vadd.f32 v14, v16;
	v16 =	vmul.f32 v21, v17  }
0x2e: {  	v24 =	vld.idx.msk [tilespmem:v8+s3+$0x0], $0xffff;
	v19 =	vadd.s32 $0x64, v30  }
0x2f: {  	v17 =	vld.idx.msk [tilespmem:v10+s3+$0x0], $0xffff;
	v14 =	vadd.f32 v16, v14;
	v16 =	vmul.f32 v23, v20  }
0x30: {  	v23 =	vld.idx.msk [tilespmem:v13+s3+$0x0], $0xffff  }
0x31: {  	v21 =	vand.u32 $0x7F, v30;
	v13 =	vadd.f32 v16, v14;
	v14 =	vmul.f32 v25, v22;
	v16 =	vld.idx.msk [tilespmem:v2+s3+$0x0], $0xffff  }
0x32: {  	v22 =	vadd.s32 $0xC8, v21;
	v25 =	vld.idx.msk [tilespmem:v30+s3+$0x0], $0xffff  }
0x33: {  	v19 =	vld.idx.msk [tilespmem:v19+s3+$0x0], $0xffff;
	v13 =	vadd.f32 v14, v13;
	v14 =	vmul.f32 v27, v18;
	v27 =	vadd.s32 $0x12C, v30  }
0x34: {  	v18 =	vld.idx.msk [tilespmem:v3+s3+$0x0], $0xffff  }
0x35: {  	v20 =	vld.idx.msk [tilespmem:v11+s3+$0x0], $0xffff;
	v13 =	vadd.f32 v14, v13;
	v14 =	vmul.f32 v24, v26;
	v26 =	vadd.s32 $0x190, v21  }
0x36: {  	v63 =	vadd.s32 $0x1F4, v30;
	v24 =	vld.idx.msk [tilespmem:v4+s3+$0x0], $0xffff  }
0x37: {  	v22 =	vld.idx.msk [tilespmem:v22+s3+$0x0], $0xffff;
	v16 =	vmul.f32 v16, v25;
	v13 =	vadd.f32 v14, v13;
	v14 =	vmul.f32 v29, v28  }
0x38: {  	v15 =	vmul.f32 v17, v15;
	v25 =	vld.idx.msk [tilespmem:v27+s3+$0x0], $0xffff;
	v27 =	vadd.s32 $0x258, v21  }
0x39: {  	v18 =	vmul.f32 v18, v19;
	v16 =	vadd.f32 v16, v12;
	v14 =	vadd.f32 v14, v13;
	v13 =	vld.idx.msk [tilespmem:v6+s3+$0x0], $0xffff  }
0x3a: {  	v19 =	vmul.f32 v20, v23;
	v17 =	vld.idx.msk [tilespmem:v26+s3+$0x0], $0xffff  }
0x3b: {  	v23 =	vadd.s32 $0x2BC, v30;
	v16 =	vadd.f32 v18, v16;
	v18 =	vld.idx.msk [tilespmem:v63+s3+$0x0], $0xffff;
	v14 =	vadd.f32 v15, v14  }
0x3c: {  	v15 =	vld.idx.msk [tilespmem:v7+s3+$0x0], $0xffff;
	v20 =	vmul.f32 v24, v22  }
0x3d: {  	v22 =	vadd.s32 $0x320, v21;
	v24 =	vadd.f32 v19, v14;
	v14 =	vld.idx.msk [tilespmem:v8+s3+$0x0], $0xffff  }
0x3e: {  	s31 =	simm.s32 $0x20;
	v20 =	vadd.f32 v20, v16;
	v19 =	vld.idx.msk [tilespmem:v27+s3+$0x0], $0xffff;
	v21 =	vmul.f32 v62, v25  }
0x3f: {  	s28 =	simm.s32 $0x30;
	s25 =	simm.s32 $0x0;
	s26 =	simm.s32 $0x400;
	v25 =	vor.u32 s31, v1;
	v16 =	vld.idx.msk [tilespmem:v9+s3+$0x0], $0xffff;
	[tilespmem:s15+$0x0] =	vst v24;
	v24 =	vadd.s32 $0x384, v30  }
.LBB2_2:
0x40: {  	p0 =	sne.s32 s28, $0x60;
	vm0 =	vlt.s32 v25, $0x63;
	v20 =	vadd.f32 v21, v20;
	v13 =	vmul.f32 v13, v17;
	v17 =	vld.idx.msk [tilespmem:v23+s25+$0x0], $0xffff  }
0x41: {  	v26 =	vnsel vm0, $0x63, v25;
	v21 =	vld.idx.msk [tilespmem:v10+s25+$0x0], $0xffff  }
0x42: {  	v15 =	vmul.f32 v15, v18;
	v13 =	vadd.f32 v13, v20;
	v18 =	vld.idx.msk [tilespmem:v22+s25+$0x0], $0xffff  }
0x43: {  	v20 =	vadd.s32 $0x64, v26;
	v22 =	vld.idx.msk [tilespmem:v11+s25+$0x0], $0xffff  }
0x44: {  	v25 =	vand.u32 $0x7F, v26;
	v14 =	vmul.f32 v14, v19;
	v13 =	vadd.f32 v15, v13;
	v15 =	vld.idx.msk [tilespmem:v24+s25+$0x0], $0xffff;
	s25 =	simm.s32 $0x0  }
0x45: {  	v23 =	vadd.s32 $0xC8, v25;
	v19 =	vld.idx.msk [tilespmem:v2+s25+$0x0], $0xffff  }
0x46: {  	v24 =	vld.idx.msk [tilespmem:v26+s25+$0x0], $0xffff;
	v13 =	vadd.f32 v14, v13;
	v14 =	vmul.f32 v16, v17  }
0x47: {  	v17 =	vadd.s32 $0x12C, v26;
	v16 =	vld.idx.msk [tilespmem:v3+s25+$0x0], $0xffff  }
0x48: {  	v20 =	vld.idx.msk [tilespmem:v20+s25+$0x0], $0xffff;
	v13 =	vadd.f32 v14, v13;
	v14 =	vmul.f32 v21, v18  }
0x49: {  	v21 =	vadd.s32 $0x190, v25;
	v18 =	vld.idx.msk [tilespmem:v4+s25+$0x0], $0xffff  }
0x4a: {  	v27 =	vld.idx.msk [tilespmem:v23+s25+$0x0], $0xffff;
	v13 =	vadd.f32 v14, v13;
	v14 =	vmul.f32 v22, v15  }
0x4b: {  	v22 =	vadd.s32 $0x1F4, v26;
	v28 =	vld.idx.msk [tilespmem:v5+s25+$0x0], $0xffff  }
0x4c: {  	v15 =	vmul.f32 v19, v24;
	v19 =	vld.idx.msk [tilespmem:v17+s25+$0x0], $0xffff;
	v14 =	vadd.f32 v14, v13  }
0x4d: {  	s26 =	sadd.s32 $0x10, s26;
	v24 =	vadd.s32 $0x258, v25;
	v13 =	vld.idx.msk [tilespmem:v6+s25+$0x0], $0xffff  }
0x4e: {  	v29 =	vadd.f32 v15, v12;
	v16 =	vmul.f32 v16, v20;
	v17 =	vld.idx.msk [tilespmem:v21+s25+$0x0], $0xffff;
	[tilespmem:s26+$0x0] =	vst v14  }
.Ltmp2:
0x4f: {  	v23 =	vadd.s32 $0x2BC, v26;
	v15 =	vld.idx.msk [tilespmem:v7+s25+$0x0], $0xffff;
	(pc) =	sbr.rel @p0 .LBB2_2-.Ltmp2, $4  }
0x50: {  	v16 =	vadd.f32 v16, v29;
	v20 =	vmul.f32 v18, v27;
	v18 =	vld.idx.msk [tilespmem:v22+s25+$0x0], $0xffff  }
0x51: {  	v22 =	vadd.s32 $0x320, v25;
	v14 =	vld.idx.msk [tilespmem:v8+s25+$0x0], $0xffff  }
0x52: {  	v20 =	vadd.f32 v20, v16;
	v21 =	vmul.f32 v28, v19;
	v19 =	vld.idx.msk [tilespmem:v24+s25+$0x0], $0xffff  }
0x53: {  	v25 =	vor.u32 s28, v1;
	s28 =	sadd.s32 $0x10, s28;
	v24 =	vadd.s32 $0x384, v26;
	v16 =	vld.idx.msk [tilespmem:v9+s25+$0x0], $0xffff  }
0x54: {  	_ =	sdelay $0x3  }
0x55: {  	vm0 =	vlt.s32 v25, $0x63;
	v23 =	vld.idx.msk [tilespmem:v23+s25+$0x0], $0xffff  }
0x56: {  	v26 =	vld.idx.msk [tilespmem:v10+s25+$0x0], $0xffff;
	v25 =	vnsel vm0, $0x63, v25  }
0x57: {  	v22 =	vld.idx.msk [tilespmem:v22+s25+$0x0], $0xffff  }
0x58: {  	v28 =	vld.idx.msk [tilespmem:v11+s25+$0x0], $0xffff;
	v27 =	vadd.s32 $0x64, v25  }
0x59: {  	v24 =	vld.idx.msk [tilespmem:v24+s25+$0x0], $0xffff;
	v29 =	vand.u32 $0x7F, v25  }
0x5a: {  	v30 =	vld.idx.msk [tilespmem:v2+s25+$0x0], $0xffff;
	v31 =	vadd.s32 $0xC8, v29  }
0x5b: {  	v32 =	vld.idx.msk [tilespmem:v25+s25+$0x0], $0xffff  }
0x5c: {  	v33 =	vld.idx.msk [tilespmem:v3+s25+$0x0], $0xffff;
	v34 =	vadd.s32 $0x12C, v25  }
0x5d: {  	v27 =	vld.idx.msk [tilespmem:v27+s25+$0x0], $0xffff  }
0x5e: {  	v35 =	vld.idx.msk [tilespmem:v4+s25+$0x0], $0xffff;
	v36 =	vadd.s32 $0x190, v29  }
0x5f: {  	v31 =	vld.idx.msk [tilespmem:v31+s25+$0x0], $0xffff  }
0x60: {  	v37 =	vld.idx.msk [tilespmem:v5+s25+$0x0], $0xffff;
	v43 =	vadd.s32 $0x1F4, v25;
	v30 =	vmul.f32 v30, v32  }
0x61: {  	v34 =	vld.idx.msk [tilespmem:v34+s25+$0x0], $0xffff  }
0x62: {  	v44 =	vld.idx.msk [tilespmem:v6+s25+$0x0], $0xffff;
	v45 =	vadd.s32 $0x258, v29;
	v27 =	vmul.f32 v33, v27;
	v12 =	vadd.f32 v30, v12  }
0x63: {  	v36 =	vld.idx.msk [tilespmem:v36+s25+$0x0], $0xffff  }
0x64: {  	v46 =	vld.idx.msk [tilespmem:v7+s25+$0x0], $0xffff;
	v47 =	vadd.s32 $0x2BC, v25;
	v31 =	vmul.f32 v35, v31;
	v12 =	vadd.f32 v27, v12  }
0x65: {  	v32 =	vld.idx.msk [tilespmem:v43+s25+$0x0], $0xffff  }
0x66: {  	v49 =	vld.idx.msk [tilespmem:v8+s25+$0x0], $0xffff;
	v29 =	vadd.s32 $0x320, v29;
	v48 =	vmul.f32 v37, v34;
	v12 =	vadd.f32 v31, v12  }
0x67: {  	v20 =	vadd.f32 v21, v20;
	v13 =	vmul.f32 v13, v17;
	v50 =	vld.idx.msk [tilespmem:v45+s25+$0x0], $0xffff  }
0x68: {  	v52 =	vld.idx.msk [tilespmem:v9+s25+$0x0], $0xffff;
	v25 =	vadd.s32 $0x384, v25;
	v51 =	vmul.f32 v44, v36;
	v12 =	vadd.f32 v48, v12  }
0x69: {  	v15 =	vmul.f32 v15, v18;
	v13 =	vadd.f32 v13, v20;
	v53 =	vld.idx.msk [tilespmem:v47+s25+$0x0], $0xffff  }
0x6a: {  	v55 =	vld.idx.msk [tilespmem:v10+s25+$0x0], $0xffff;
	v54 =	vmul.f32 v46, v32;
	v12 =	vadd.f32 v51, v12  }
0x6b: {  	v14 =	vmul.f32 v14, v19;
	v13 =	vadd.f32 v15, v13;
	v56 =	vld.idx.msk [tilespmem:v29+s25+$0x0], $0xffff  }
0x6c: {  	v57 =	vld.idx.msk [tilespmem:v11+s25+$0x0], $0xffff;
	v17 =	vmul.f32 v49, v50;
	v12 =	vadd.f32 v54, v12  }
0x6d: {  	v58 =	vmul.f32 v16, v23;
	v13 =	vadd.f32 v14, v13;
	v59 =	vld.idx.msk [tilespmem:v25+s25+$0x0], $0xffff  }
0x6e: {  	v60 =	vmul.f32 v52, v53;
	v12 =	vadd.f32 v17, v12  }
0x6f: {  	v61 =	vmul.f32 v26, v22;
	v13 =	vadd.f32 v58, v13  }
0x70: {  	v15 =	vmul.f32 v55, v56;
	v12 =	vadd.f32 v60, v12  }
0x71: {  	v62 =	vmul.f32 v28, v24;
	v13 =	vadd.f32 v61, v13  }
0x72: {  	v63 =	vmul.f32 v57, v59;
	v12 =	vadd.f32 v15, v12  }
0x73: {  	v13 =	vadd.f32 v62, v13  }
0x74: {  	s0 =	sadd.s32 $0x10, s26;
	v12 =	vadd.f32 v63, v12  }
0x75: {  	[tilespmem:s0+$0x0] =	vst v13;
	s0 =	sadd.s32 $0x10, s0  }
0x76: {  	p0 =	por $0x1, $0x1;
	p1 =	por $0x0, $0x0;
	[tilespmem:s0+$0x0] =	vst v12;
	s0 =	smov.u32 s8  }
.LBB2_4:
0x77: {  	[tilespmem:s16], [sflag:$0x2] =	stream.strided.gather [hbm4b:s0+s15], $0x6400, s12, s15, $0x38;
	[tilespmem:$0x19470] =	vst v63  }
0x78: {  	p2 =	por $0x1, $0x1;
	_ =	swait.ge [sflag:s17], $0x6400  }
.Ltmp3:
0x79: {  	[sflag:s17] =	ssyncset.done $0x0;
	(pc) =	sbr.rel @!p2 .LBB2_5-.Ltmp3, $4  }
0x7a: {  	s0 =	simm.s32 @p1 $0x3;
	[sflag:s17] =	ssyncadd.s32 $0xFFFF9C00  }
0x7b: {  	_ =	swait.ge @p1 [sflag:s0], $0x6400  }
0x7c: {  	[sflag:s0] =	ssyncset.done @p1 $0x0  }
0x7d: {  	s26 =	simm.s32 $0x0;
	[sflag:s0] =	ssyncadd.s32 @p1 $0xFFFF9C00  }
0x7e: {  	v12 =	vld [tilespmem:s26+$0x470];
	_ =	sdelay $0x5  }
0x7f: {  	v13 =	vld [tilespmem:s26+$0x480];
	_ =	sdelay $0x1  }
0x80: {  	v12 =	vld.idx.msk [tilespmem:v12+s15+$0x0], $0xffff  }
0x81: {  	p2 =	por $0x1, $0x1  }
.Ltmp4:
0x82: {  	_ = 	snop;
	(pc) =	sbr.rel @!p2 .LBB2_7-.Ltmp4, $3  }
0x83: {  	_ =	sdelay $0x1  }
0x84: {  	v16 =	vld [tilespmem:s26+$0x490];
	[tilespmem:s26+$0xCC70] =	vst v12  }
0x85: {  	s30 =	simm.s32 $0x80;
	p1 =	por $0x1, $0x1;
	v18 =	vld.idx.msk [tilespmem:v13+s15+$0x0], $0xffff  }
0x86: {  	_ = 	snop  }
0x87: {  	v12 =	vld [tilespmem:s30+$0x470];
	_ =	sdelay $0x3  }
0x88: {  	v14 =	vld [tilespmem:s26+$0x4A0]  }
0x89: {  	v15 =	vld [tilespmem:s30+$0x480];
	[tilespmem:s26+$0xCC80] =	vst v18  }
0x8a: {  	v13 =	vld.idx.msk [tilespmem:v16+s15+$0x0], $0xffff;
	_ =	sdelay $0x1  }
0x8b: {  	v16 =	vld.idx.msk [tilespmem:v12+s15+$0x0], $0xffff  }
0x8c: {  	p3 =	por $0x1, $0x1  }
.Ltmp5:
0x8d: {  	_ = 	snop;
	(pc) =	sbr.rel @!p3 .LBB2_9-.Ltmp5, $4  }
0x8e: {  	[tilespmem:s26+$0xCC90] =	vst v13;
	v13 =	vld [tilespmem:s26+$0x4B0]  }
0x8f: {  	v12 =	vld.idx.msk [tilespmem:v14+s15+$0x0], $0xffff  }
0x90: {  	[tilespmem:s30+$0xCC70] =	vst v16;
	v16 =	vld [tilespmem:s30+$0x490]  }
0x91: {  	s31 =	simm.s32 $0x100;
	p2 =	por $0x1, $0x1;
	v18 =	vld.idx.msk [tilespmem:v15+s15+$0x0], $0xffff  }
0x92: {  	_ = 	snop  }
0x93: {  	v14 =	vld [tilespmem:s31+$0x470];
	_ =	sdelay $0x2  }
0x94: {  	v15 =	vld [tilespmem:s26+$0x4C0];
	[tilespmem:s26+$0xCCA0] =	vst v12  }
0x95: {  	v17 =	vld.idx.msk [tilespmem:v13+s15+$0x0], $0xffff  }
0x96: {  	[tilespmem:s30+$0xCC80] =	vst v18;
	v18 =	vld [tilespmem:s30+$0x4A0]  }
0x97: {  	v20 =	vld [tilespmem:s31+$0x480]  }
0x98: {  	v16 =	vld.idx.msk [tilespmem:v16+s15+$0x0], $0xffff  }
0x99: {  	v21 =	vld.idx.msk [tilespmem:v14+s15+$0x0], $0xffff  }
0x9a: {  	p4 =	por $0x1, $0x1;
	v14 =	vld [tilespmem:s26+$0x4D0]  }
.Ltmp6:
0x9b: {  	[tilespmem:s26+$0xCCB0] =	vst v17;
	v17 =	vld [tilespmem:s30+$0x4B0];
	(pc) =	sbr.rel @!p4 .LBB2_11-.Ltmp6, $4  }
0x9c: {  	v15 =	vld.idx.msk [tilespmem:v15+s15+$0x0], $0xffff  }
0x9d: {  	[tilespmem:s30+$0xCC90] =	vst v16;
	v16 =	vld [tilespmem:s31+$0x490]  }
0x9e: {  	s29 =	simm.s32 $0x180;
	v19 =	vld.idx.msk [tilespmem:v18+s15+$0x0], $0xffff;
	[tilespmem:s31+$0xCC70] =	vst v21  }
0x9f: {  	s0 =	simm.s32 $0x800;
	p3 =	por $0x1, $0x1;
	s28 =	simm.s32 $0x0;
	v18 =	vld.idx.msk [tilespmem:v20+s15+$0x0], $0xffff  }
.LBB2_12:
0xa0: {  	p4 =	sne.s32 s0, $0x18E00;
	v20 =	vld [tilespmem:s29+$0x470];
	s1 =	smov.u32 s30;
	s30 =	smov.u32 s31  }
0xa1: {  	s31 =	smov.u32 s29;
	[tilespmem:s28+$0xCCC0] =	vst v15;
	v15 =	vld [tilespmem:s28+$0x4E0]  }
0xa2: {  	v14 =	vld.idx.msk [tilespmem:v14+s15+$0x0], $0xffff  }
0xa3: {  	[tilespmem:s1+$0xCCA0] =	vst v19;
	v19 =	vld [tilespmem:s1+$0x4C0]  }
0xa4: {  	v17 =	vld.idx.msk [tilespmem:v17+s15+$0x0], $0xffff  }
0xa5: {  	[tilespmem:s30+$0xCC80] =	vst v18;
	v18 =	vld [tilespmem:s30+$0x4A0]  }
0xa6: {  	v16 =	vld.idx.msk [tilespmem:v16+s15+$0x0], $0xffff  }
0xa7: {  	v21 =	vld [tilespmem:s31+$0x480]  }
0xa8: {  	v20 =	vld.idx.msk [tilespmem:v20+s15+$0x0], $0xffff;
	[tilespmem:s28+$0xCCD0] =	vst v14  }
0xa9: {  	v22 =	vld.idx.msk [tilespmem:v15+s15+$0x0], $0xffff  }
0xaa: {  	[tilespmem:s1+$0xCCB0] =	vst v17;
	v14 =	vld [tilespmem:s1+$0x4D0]  }
.Ltmp7:
0xab: {  	v15 =	vld.idx.msk [tilespmem:v19+s15+$0x0], $0xffff;
	(pc) =	sbr.rel @p4 .LBB2_12-.Ltmp7, $4  }
0xac: {  	[tilespmem:s30+$0xCC90] =	vst v16;
	v17 =	vld [tilespmem:s30+$0x4B0]  }
0xad: {  	v19 =	vld.idx.msk [tilespmem:v18+s15+$0x0], $0xffff  }
0xae: {  	[tilespmem:s31+$0xCC70] =	vst v20;
	v16 =	vld [tilespmem:s31+$0x490]  }
0xaf: {  	s29 =	sshra.s32 s0, $0x2;
	s0 =	sadd.s32 $0x200, s0;
	v18 =	vld.idx.msk [tilespmem:v21+s15+$0x0], $0xffff;
	[tilespmem:s28+$0xCCE0] =	vst v22;
	s28 =	smov.u32 s1  }
0xb0: {  	s0 =	smov.u32 s30;
	s30 =	smov.u32 s31  }
.LBB2_14:
0xb1: {  	v20 =	vld [tilespmem:s29+$0x470];
	_ =	sdelay $0x5  }
0xb2: {  	v21 =	vld [tilespmem:s29+$0x480];
	_ =	sdelay $0x1  }
0xb3: {  	v20 =	vld.idx.msk [tilespmem:v20+s15+$0x0], $0xffff  }
0xb4: {  	s1 =	smov.u32 @p1 s30  }
0xb5: {  	[tilespmem:s1+$0xCC80] =	vst @p1 v18;
	v18 =	vld @p1 [tilespmem:s1+$0x4A0]  }
0xb6: {  	v62 =	vld [tilespmem:s29+$0x490]  }
0xb7: {  	v16 =	vld.idx.msk @p1 [tilespmem:v16+s15+$0x0], $0xffff  }
0xb8: {  	[tilespmem:s29+$0xCC70] =	vst v20  }
0xb9: {  	v21 =	vld.idx.msk [tilespmem:v21+s15+$0x0], $0xffff  }
0xba: {  	v22 =	vld @p1 [tilespmem:s1+$0x4B0];
	_ =	sdelay $0x1  }
0xbb: {  	v63 =	vld [tilespmem:s29+$0x4A0];
	[tilespmem:s1+$0xCC90] =	vst @p1 v16  }
0xbc: {  	v16 =	vld.idx.msk @p1 [tilespmem:v18+s15+$0x0], $0xffff  }
0xbd: {  	[tilespmem:s29+$0xCC80] =	vst v21  }
0xbe: {  	v13 =	vpsel p1, v22, v13;
	v20 =	vld.idx.msk [tilespmem:v62+s15+$0x0], $0xffff  }
0xbf: {  	[tilespmem:s0+$0xCCA0] =	vst @p2 v19;
	v19 =	vld @p2 [tilespmem:s0+$0x4C0]  }
0xc0: {  	s26 =	smov.u32 @p1 s1;
	v17 =	vld.idx.msk @p2 [tilespmem:v17+s15+$0x0], $0xffff  }
0xc1: {  	s1 =	smov.u32 @p1 s26;
	v18 =	vld [tilespmem:s29+$0x4B0];
	v12 =	vpsel p1, v16, v12  }
0xc2: {  	[tilespmem:s1+$0xCCA0] =	vst @p1 v12;
	v12 =	vld @p1 [tilespmem:s1+$0x4C0]  }
0xc3: {  	v13 =	vld.idx.msk @p1 [tilespmem:v13+s15+$0x0], $0xffff;
	[tilespmem:s29+$0xCC90] =	vst v20  }
0xc4: {  	v20 =	vld.idx.msk [tilespmem:v63+s15+$0x0], $0xffff;
	_ =	sdelay $0x1  }
0xc5: {  	[tilespmem:s0+$0xCCB0] =	vst @p2 v17  }
0xc6: {  	v17 =	vld.idx.msk @p2 [tilespmem:v19+s15+$0x0], $0xffff  }
0xc7: {  	v16 =	vld [tilespmem:s29+$0x4C0];
	[tilespmem:s1+$0xCCB0] =	vst @p1 v13  }
0xc8: {  	v13 =	vld @p1 [tilespmem:s1+$0x4D0];
	[tilespmem:s29+$0xCCA0] =	vst v20  }
0xc9: {  	v18 =	vld.idx.msk [tilespmem:v18+s15+$0x0], $0xffff  }
0xca: {  	v20 =	vld @p2 [tilespmem:s0+$0x4D0]  }
0xcb: {  	[tilespmem:s28+$0xCCC0] =	vst @p3 v15;
	v12 =	vld.idx.msk @p1 [tilespmem:v12+s15+$0x0], $0xffff  }
0xcc: {  	v14 =	vld.idx.msk @p3 [tilespmem:v14+s15+$0x0], $0xffff;
	v17 =	vpsel p2, v17, v0;
	s0 =	smov.u32 @p2 s0  }
0xcd: {  	v19 =	vld [tilespmem:s29+$0x4D0];
	v13 =	vpsel p1, v13, v0;
	[tilespmem:s0+$0xCCC0] =	vst @p2 v17  }
0xce: {  	v17 =	vld @p2 [tilespmem:s0+$0x4E0];
	[tilespmem:s29+$0xCCB0] =	vst v18  }
0xcf: {  	s1 =	smov.u32 @p1 s1;
	v18 =	vpsel p2, v20, v0;
	v15 =	vld.idx.msk [tilespmem:v16+s15+$0x0], $0xffff  }
0xd0: {  	v12 =	vpsel p1, v12, v0;
	v20 =	vld @p1 [tilespmem:s1+$0x4E0]  }
0xd1: {  	[tilespmem:s1+$0xCCC0] =	vst @p1 v12;
	v16 =	vld @p3 [tilespmem:s28+$0x4E0]  }
0xd2: {  	v13 =	vld.idx.msk @p1 [tilespmem:v13+s15+$0x0], $0xffff  }
0xd3: {  	v12 =	vld [tilespmem:s29+$0x4E0]  }
0xd4: {  	v18 =	vld.idx.msk @p2 [tilespmem:v18+s15+$0x0], $0xffff;
	[tilespmem:s29+$0xCCC0] =	vst v15  }
0xd5: {  	v15 =	vld.idx.msk [tilespmem:v19+s15+$0x0], $0xffff;
	_ =	sdelay $0x1  }
0xd6: {  	[tilespmem:s1+$0xCCD0] =	vst @p1 v13  }
0xd7: {  	[tilespmem:s28+$0xCCD0] =	vst @p3 v14;
	v13 =	vld.idx.msk @p1 [tilespmem:v20+s15+$0x0], $0xffff  }
0xd8: {  	v14 =	vld.idx.msk @p3 [tilespmem:v16+s15+$0x0], $0xffff;
	[tilespmem:s0+$0xCCD0] =	vst @p2 v18  }
0xd9: {  	v16 =	vld.idx.msk @p2 [tilespmem:v17+s15+$0x0], $0xffff;
	[tilespmem:s29+$0xCCD0] =	vst v15  }
0xda: {  	v12 =	vld.idx.msk [tilespmem:v12+s15+$0x0], $0xffff;
	_ =	sdelay $0x1  }
0xdb: {  	[tilespmem:s1+$0xCCE0] =	vst @p1 v13  }
0xdc: {  	s31 =	sor.u32 s4, s25;
	[tilespmem:s28+$0xCCE0] =	vst @p3 v14  }
0xdd: {  	[tilespmem:s0+$0xCCE0] =	vst @p2 v16;
	s0 =	sshll.u32 s31, $0x4  }
0xde: {  	s0 =	sadd.s32 s2, s0;
	[tilespmem:s29+$0xCCE0] =	vst v12  }
0xdf: {  	[hbm4b:s0+s18] =	stream.strided.scatter [tilespmem:s20], [sflag:$0x3], $0x6400, s19, s18, $0x38;
	[tilespmem:$0x19470] =	vst v63  }
0xe0: {  	s0 =	simm.s32 @!p0 $0x2  }
0xe1: {  	_ =	swait.ge @!p0 [sflag:s0], $0x6400  }
0xe2: {  	s26 =	simm.s32 @p0 $0x20000;
	s1 =	simm.s32 @p0 $0x400;
	[sflag:s0] =	ssyncset.done @!p0 $0x0  }
0xe3: {  	s28 =	simm.s32 @p0 $0x470;
	[sflag:s0] =	ssyncadd.s32 @!p0 $0xFFFF9C00;
	s0 =	simm.s32 @!p0 $0x4  }
0xe4: {  	[tilespmem:s28], [sflag:$0x1] =	stream.strided.gather @p0 [hbm4b:s9+s1], $0x6400, s26, s1, $0x38;
	[tilespmem:$0x19470] =	vst v63  }
0xe5: {  	s0 =	simm.s32 @p0 $0x2  }
0xe6: {  	_ =	swait.ge [sflag:s0], $0x6400  }
0xe7: {  	[sflag:s0] =	ssyncset.done $0x0  }
0xe8: {  	s26 =	simm.s32 $0x0;
	[sflag:s0] =	ssyncadd.s32 $0xFFFF9C00  }
0xe9: {  	v12 =	vld [tilespmem:s26+$0x6870];
	_ =	sdelay $0x6  }
0xea: {  	v13 =	vld [tilespmem:s26+$0x6880]  }
0xeb: {  	v12 =	vld.idx.msk [tilespmem:v12+s15+$0x0], $0xffff;
	_ =	sdelay $0x1  }
0xec: {  	s28 =	simm.s32 $0x80  }
0xed: {  	v14 =	vld [tilespmem:s28+$0x6870];
	_ =	sdelay $0x1  }
0xee: {  	[tilespmem:s26+$0x13070] =	vst v12;
	v12 =	vld [tilespmem:s26+$0x6890];
	_ =	sdelay $0x1  }
0xef: {  	v13 =	vld.idx.msk [tilespmem:v13+s15+$0x0], $0xffff;
	_ =	sdelay $0x2  }
0xf0: {  	v15 =	vld [tilespmem:s28+$0x6880]  }
0xf1: {  	v14 =	vld.idx.msk [tilespmem:v14+s15+$0x0], $0xffff  }
0xf2: {  	[tilespmem:s26+$0x13080] =	vst v13;
	v13 =	vld [tilespmem:s26+$0x68A0]  }
0xf3: {  	v12 =	vld.idx.msk [tilespmem:v12+s15+$0x0], $0xffff;
	_ =	sdelay $0x3  }
0xf4: {  	[tilespmem:s28+$0x13070] =	vst v14;
	v14 =	vld [tilespmem:s28+$0x6890]  }
0xf5: {  	[tilespmem:s26+$0x13090] =	vst v12;
	v12 =	vld [tilespmem:s26+$0x68B0]  }
0xf6: {  	v15 =	vld.idx.msk [tilespmem:v15+s15+$0x0], $0xffff  }
0xf7: {  	s29 =	simm.s32 $0x100;
	v13 =	vld.idx.msk [tilespmem:v13+s15+$0x0], $0xffff  }
0xf8: {  	v16 =	vld [tilespmem:s29+$0x6870];
	_ =	sdelay $0x2  }
0xf9: {  	[tilespmem:s28+$0x13080] =	vst v15;
	v15 =	vld [tilespmem:s28+$0x68A0]  }
0xfa: {  	[tilespmem:s26+$0x130A0] =	vst v13;
	v13 =	vld [tilespmem:s26+$0x68C0]  }
0xfb: {  	v12 =	vld.idx.msk [tilespmem:v12+s15+$0x0], $0xffff  }
0xfc: {  	v14 =	vld.idx.msk [tilespmem:v14+s15+$0x0], $0xffff  }
0xfd: {  	v17 =	vld [tilespmem:s29+$0x6880]  }
0xfe: {  	v16 =	vld.idx.msk [tilespmem:v16+s15+$0x0], $0xffff;
	_ =	sdelay $0x1  }
0xff: {  	[tilespmem:s26+$0x130B0] =	vst v12;
	v12 =	vld [tilespmem:s26+$0x68D0]  }
0x100: {  	[tilespmem:s28+$0x13090] =	vst v14;
	v14 =	vld [tilespmem:s28+$0x68B0]  }
0x101: {  	v13 =	vld.idx.msk [tilespmem:v13+s15+$0x0], $0xffff  }
0x102: {  	[tilespmem:s29+$0x13070] =	vst v16;
	v16 =	vld [tilespmem:s29+$0x6890]  }
0x103: {  	v15 =	vld.idx.msk [tilespmem:v15+s15+$0x0], $0xffff  }
0x104: {  	s30 =	simm.s32 $0x180;
	s0 =	simm.s32 $0x800;
	v17 =	vld.idx.msk [tilespmem:v17+s15+$0x0], $0xffff  }
.LBB2_15:
0x105: {  	p1 =	sne.s32 s0, $0x18E00;
	v18 =	vld [tilespmem:s30+$0x6870];
	s1 =	smov.u32 s28;
	s28 =	smov.u32 s29  }
0x106: {  	s29 =	smov.u32 s30;
	[tilespmem:s26+$0x130C0] =	vst v13;
	v13 =	vld [tilespmem:s26+$0x68E0]  }
0x107: {  	v12 =	vld.idx.msk [tilespmem:v12+s15+$0x0], $0xffff  }
0x108: {  	[tilespmem:s1+$0x130A0] =	vst v15;
	v15 =	vld [tilespmem:s1+$0x68C0]  }
0x109: {  	v14 =	vld.idx.msk [tilespmem:v14+s15+$0x0], $0xffff  }
0x10a: {  	[tilespmem:s28+$0x13080] =	vst v17;
	v17 =	vld [tilespmem:s28+$0x68A0]  }
0x10b: {  	v16 =	vld.idx.msk [tilespmem:v16+s15+$0x0], $0xffff  }
0x10c: {  	v19 =	vld [tilespmem:s29+$0x6880]  }
0x10d: {  	v18 =	vld.idx.msk [tilespmem:v18+s15+$0x0], $0xffff;
	[tilespmem:s26+$0x130D0] =	vst v12  }
0x10e: {  	v20 =	vld.idx.msk [tilespmem:v13+s15+$0x0], $0xffff  }
0x10f: {  	[tilespmem:s1+$0x130B0] =	vst v14;
	v12 =	vld [tilespmem:s1+$0x68D0]  }
.Ltmp8:
0x110: {  	v13 =	vld.idx.msk [tilespmem:v15+s15+$0x0], $0xffff;
	(pc) =	sbr.rel @p1 .LBB2_15-.Ltmp8, $4  }
0x111: {  	[tilespmem:s28+$0x13090] =	vst v16;
	v14 =	vld [tilespmem:s28+$0x68B0]  }
0x112: {  	v15 =	vld.idx.msk [tilespmem:v17+s15+$0x0], $0xffff  }
0x113: {  	[tilespmem:s29+$0x13070] =	vst v18;
	v16 =	vld [tilespmem:s29+$0x6890]  }
0x114: {  	s30 =	sshra.s32 s0, $0x2;
	s0 =	sadd.s32 $0x200, s0;
	v17 =	vld.idx.msk [tilespmem:v19+s15+$0x0], $0xffff;
	[tilespmem:s26+$0x130E0] =	vst v20;
	s26 =	smov.u32 s1  }
0x115: {  	v18 =	vld [tilespmem:s30+$0x6870];
	_ =	sdelay $0x5  }
0x116: {  	v19 =	vld [tilespmem:s30+$0x6880];
	_ =	sdelay $0x1  }
0x117: {  	v18 =	vld.idx.msk [tilespmem:v18+s15+$0x0], $0xffff;
	_ =	sdelay $0x3  }
0x118: {  	v47 =	vld [tilespmem:s30+$0x6890]  }
0x119: {  	[tilespmem:s30+$0x13070] =	vst v18  }
0x11a: {  	v19 =	vld.idx.msk [tilespmem:v19+s15+$0x0], $0xffff;
	_ =	sdelay $0x2  }
0x11b: {  	v48 =	vld [tilespmem:s29+$0x68A0]  }
0x11c: {  	v49 =	vld [tilespmem:s30+$0x68A0];
	[tilespmem:s29+$0x13080] =	vst v17  }
0x11d: {  	v16 =	vld.idx.msk [tilespmem:v16+s15+$0x0], $0xffff;
	[tilespmem:s30+$0x13080] =	vst v19  }
0x11e: {  	v18 =	vld.idx.msk [tilespmem:v47+s15+$0x0], $0xffff  }
0x11f: {  	v50 =	vld [tilespmem:s29+$0x68B0]  }
0x120: {  	v51 =	vld [tilespmem:s30+$0x68B0]  }
0x121: {  	v52 =	vld [tilespmem:s28+$0x68C0]  }
0x122: {  	v53 =	vld [tilespmem:s29+$0x68C0];
	[tilespmem:s29+$0x13090] =	vst v16  }
0x123: {  	v17 =	vld.idx.msk [tilespmem:v48+s15+$0x0], $0xffff;
	[tilespmem:s30+$0x13090] =	vst v18  }
0x124: {  	v19 =	vld.idx.msk [tilespmem:v49+s15+$0x0], $0xffff  }
0x125: {  	v54 =	vld [tilespmem:s30+$0x68C0]  }
0x126: {  	v55 =	vld [tilespmem:s28+$0x68D0]  }
0x127: {  	v56 =	vld [tilespmem:s29+$0x68D0];
	[tilespmem:s28+$0x130A0] =	vst v15  }
0x128: {  	v14 =	vld.idx.msk [tilespmem:v14+s15+$0x0], $0xffff;
	[tilespmem:s29+$0x130A0] =	vst v17  }
0x129: {  	v16 =	vld.idx.msk [tilespmem:v50+s15+$0x0], $0xffff;
	[tilespmem:s30+$0x130A0] =	vst v19  }
0x12a: {  	v18 =	vld.idx.msk [tilespmem:v51+s15+$0x0], $0xffff  }
0x12b: {  	v57 =	vld [tilespmem:s30+$0x68D0]  }
0x12c: {  	v59 =	vld [tilespmem:s26+$0x68E0]  }
0x12d: {  	v60 =	vld [tilespmem:s28+$0x68E0];
	[tilespmem:s28+$0x130B0] =	vst v14  }
0x12e: {  	v15 =	vld.idx.msk [tilespmem:v52+s15+$0x0], $0xffff;
	[tilespmem:s29+$0x130B0] =	vst v16  }
0x12f: {  	v17 =	vld.idx.msk [tilespmem:v53+s15+$0x0], $0xffff;
	[tilespmem:s30+$0x130B0] =	vst v18  }
0x130: {  	v58 =	vld.idx.msk [tilespmem:v54+s15+$0x0], $0xffff  }
0x131: {  	v61 =	vld [tilespmem:s29+$0x68E0]  }
0x132: {  	[tilespmem:s26+$0x130C0] =	vst v13;
	v62 =	vld [tilespmem:s30+$0x68E0]  }
0x133: {  	v12 =	vld.idx.msk [tilespmem:v12+s15+$0x0], $0xffff;
	[tilespmem:s28+$0x130C0] =	vst v15  }
0x134: {  	v14 =	vld.idx.msk [tilespmem:v55+s15+$0x0], $0xffff;
	[tilespmem:s29+$0x130C0] =	vst v17  }
0x135: {  	v16 =	vld.idx.msk [tilespmem:v56+s15+$0x0], $0xffff;
	[tilespmem:s30+$0x130C0] =	vst v58  }
0x136: {  	v18 =	vld.idx.msk [tilespmem:v57+s15+$0x0], $0xffff;
	_ =	sdelay $0x1  }
0x137: {  	[tilespmem:s26+$0x130D0] =	vst v12  }
0x138: {  	v12 =	vld.idx.msk [tilespmem:v59+s15+$0x0], $0xffff;
	[tilespmem:s28+$0x130D0] =	vst v14  }
0x139: {  	v14 =	vld.idx.msk [tilespmem:v60+s15+$0x0], $0xffff;
	[tilespmem:s29+$0x130D0] =	vst v16  }
0x13a: {  	v63 =	vld.idx.msk [tilespmem:v61+s15+$0x0], $0xffff;
	[tilespmem:s30+$0x130D0] =	vst v18  }
0x13b: {  	v13 =	vld.idx.msk [tilespmem:v62+s15+$0x0], $0xffff;
	_ =	sdelay $0x1  }
.Ltmp9:
0x13c: {  	[tilespmem:s26+$0x130E0] =	vst v12;
	(pc) =	sbr.rel @!p0 .LBB2_18-.Ltmp9, $4  }
0x13d: {  	s0 =	sor.u32 s11, s25;
	[tilespmem:s28+$0x130E0] =	vst v14  }
0x13e: {  	s1 =	sshll.u32 s0, $0x4;
	[tilespmem:s29+$0x130E0] =	vst v63  }
0x13f: {  	s1 =	sadd.s32 s2, s1;
	[tilespmem:s30+$0x130E0] =	vst v13  }
0x140: {  	[hbm4b:s1+s18] =	stream.strided.scatter [tilespmem:s21], [sflag:$0x4], $0x6400, s19, s18, $0x38;
	[tilespmem:$0x19470] =	vst v63  }
.Ltmp10:
0x141: {  	(pc) =	sbr.rel .LBB2_4-.Ltmp10, $3  }
0x142: {  	_ =	sdelay $0x1  }
0x143: {  	s0 =	sshll.u32 s0, $0x7;
	s25 =	simm.s32 $0x2  }
0x144: {  	p0 =	por $0x0, $0x0;
	p1 =	por $0x1, $0x1;
	s0 =	sadd.s32 s0, s7  }
.LBB2_5:
.Ltmp11:
0x145: {  	(pc) =	sbr.rel .LBB2_14-.Ltmp11, $3  }
0x146: {  	_ =	sdelay $0x1  }
0x147: {  	s29 =	simm.s32 $0x0  }
0x148: {  	p1 =	por $0x0, $0x0;
	p2 =	por $0x0, $0x0;
	p3 =	por $0x0, $0x0  }
.LBB2_7:
.Ltmp12:
0x149: {  	(pc) =	sbr.rel .LBB2_14-.Ltmp12, $3  }
0x14a: {  	_ =	sdelay $0x1  }
0x14b: {  	s29 =	simm.s32 $0x80  }
0x14c: {  	s30 =	simm.s32 $0x0;
	p2 =	por $0x0, $0x0;
	p3 =	por $0x0, $0x0  }
.LBB2_9:
.Ltmp13:
0x14d: {  	(pc) =	sbr.rel .LBB2_14-.Ltmp13, $2  }
0x14e: {  	_ =	sdelay $0x2  }
0x14f: {  	s29 =	simm.s32 $0x100;
	s0 =	simm.s32 $0x0;
	p3 =	por $0x0, $0x0;
	v17 =	vmov v13;
	v19 =	vmov v12  }
.LBB2_11:
.Ltmp14:
0x150: {  	(pc) =	sbr.rel .LBB2_14-.Ltmp14, $2  }
0x151: {  	_ =	sdelay $0x2  }
0x152: {  	s0 =	simm.s32 $0x80;
	s30 =	simm.s32 $0x100;
	s28 =	simm.s32 $0x0  }
.LBB2_19:
0x153: {  	_ =	sfence.sel $0x180000  }
0x154: {  	[bflag:$0x0] =	sbarrier.arrive $0xFFFF  }
0x155: {  	_ =	strace $0x90000047  }
0x156: {  	s0 =	stileid.u32;
	[bflag:$0x2] =	sbarrier.arrive $0xFFFF  }
0x157: {  	p0 =	sne.s32 s0, $0x0;
	s0 =	rddreg [dreg:$0x3]  }
0x158: {  	s0 =	sadd.s32 @!p0 $0x100000, s0  }
0x159: {  	[sflag:s0] =	ssyncadd.tile.s32 @!p0 $0x1;
	_ =	shalt  }
.Lfunc_end2:
_tile_overlayer_lowered:
.L_overlay_start_2:
0x15a: {  	(tag) =	ssettag $0x2  }
0x15b: {  	s0 =	rddreg [dreg:$0x0];
	s2 =	stileid.u32  }
0x15c: {  	s1 =	rddreg [dreg:$0x1];
	p0 =	sne.s32 s2, $0x0  }
0x15d: {  	s3 =	rddreg [dreg:$0x2];
	[bflag:$0x3] =	sbarrier.arrive $0xFFFF;
	s2 =	simm.s32 @!p0 $0x1C05  }
0x15e: {  	[timem:s3], [sflag:s2] =	dma.local @!p0 [hbm:s0], s1  }
0x15f: {  	s0 =	simm.s32 @!p0 $0x5  }
0x160: {  	_ =	swait.ge @!p0 [sflag:s0], s1  }
0x161: {  	s1 =	ssub.s32 @!p0 $0x0, s1;
	[sflag:s0] =	ssyncset.done @!p0 $0x0  }
0x162: {  	[sflag:s0] =	ssyncadd.s32 @!p0 s1  }
0x163: {  	[bflag:$0x3] =	sbarrier.arrive $0xFFFF  }
0x164: {  	_ =	shalt  }

</sc_bundles>
